<compile_context>
chip_gen: v7x
topology: tpu7x:2x2x1
jax: 0.10.2.dev20260603
libtpu: 0.0.44.dev20260713+nightly
codegen_flags: <defaults>
</compile_context>

<pallas_src>
import functools
import math

import jax
import jax.numpy as jnp
from jax import lax
from jax.experimental import pallas as pl
from jax.experimental.pallas import tpu as pltpu
from jax.experimental.pallas import tpu_sc as plsc

_SMOOTHING = 0.1
_CONFIDENCE = 1.0 - _SMOOTHING

_NUM_CORES = 2
_NUM_SUBCORES = 16
_NW = _NUM_CORES * _NUM_SUBCORES
_L = 16

_C = 1408
_NACC = 8


def _sc_partials(x, tgt, aligned, s_coef, g_coef):
    n, v = x.shape
    rpt = n // _NW
    nchunk = aligned // _C
    npair = nchunk // 2
    ngrp = _C // _L
    mesh = plsc.VectorSubcoreMesh(core_axis_name="c", subcore_axis_name="s")

    @functools.partial(
        pl.kernel,
        mesh=mesh,
        out_type=jax.ShapeDtypeStruct((_NW, _L), jnp.float32),
        scratch_types=[
            pltpu.VMEM((rpt, _C), jnp.float32),
            pltpu.VMEM((rpt, _C), jnp.float32),
            pltpu.VMEM((rpt,), jnp.int32),
            pltpu.VMEM((_L,), jnp.float32),
            pltpu.SemaphoreType.DMA,
            pltpu.SemaphoreType.DMA,
        ],
        compiler_params=pltpu.CompilerParams(needs_layout_passes=False),
    )
    def body(x_hbm, tgt_hbm, out_hbm, buf0, buf1, tgt_v, stage_v, sem0, sem1):
        wid = lax.axis_index("s") * _NUM_CORES + lax.axis_index("c")
        r0 = wid * rpt
        pltpu.sync_copy(tgt_hbm.at[pl.ds(r0, rpt)], tgt_v)
        ta = tgt_v[pl.ds(0, _L)]
        tb = tgt_v[pl.ds(_L, _L)]
        rows_a = jnp.arange(_L, dtype=jnp.int32)
        rows_b = rows_a + _L

        def chunk_src(c0):
            return x_hbm.at[pl.ds(r0, rpt), pl.ds(pl.multiple_of(c0, 128), _C)]

        def dense(buf, accs):
            def grp(k, accs):
                accs = list(accs)
                for r in range(rpt):
                    accs[r % _NACC] = accs[r % _NACC] + buf[r, pl.ds(k * _L, _L)]
                return tuple(accs)

            return lax.fori_loop(0, ngrp, grp, accs)

        def pick(buf, c0, t, rows, gacc):
            m = (t >= c0) & (t < c0 + _C)
            loc = jnp.where(m, t - c0, 0)
            vals = plsc.load_gather(buf, [rows, loc], mask=m)
            return gacc + jnp.where(m, vals, 0.0)

        def process(buf, c0, accs, gacc):
            accs = dense(buf, accs)
            gacc = pick(buf, c0, ta, rows_a, gacc)
            gacc = pick(buf, c0, tb, rows_b, gacc)
            return accs, gacc

        pltpu.async_copy(chunk_src(0), buf0, sem0)

        zero = jnp.zeros((_L,), jnp.float32)

        def pair(j, carry):
            accs, gacc = carry[:-1], carry[-1]
            c_even = j * (2 * _C)
            c_odd = c_even + _C
            pltpu.make_async_copy(chunk_src(c_even), buf0, sem0).wait()
            pltpu.async_copy(chunk_src(c_odd), buf1, sem1)
            accs, gacc = process(buf0, c_even, accs, gacc)
            pltpu.async_copy(chunk_src(c_even + 2 * _C), buf0, sem0)
            pltpu.make_async_copy(chunk_src(c_odd), buf1, sem1).wait()
            accs, gacc = process(buf1, c_odd, accs, gacc)
            return accs + (gacc,)

        carry = lax.fori_loop(0, npair, pair, (zero,) * _NACC + (zero,))
        accs, gacc = carry[:-1], carry[-1]
        c_last = (nchunk - 1) * _C
        pltpu.make_async_copy(chunk_src(c_last), buf0, sem0).wait()
        accs, gacc = process(buf0, c_last, accs, gacc)
        total = accs[0]
        for a in accs[1:]:
            total = total + a
        stage_v[...] = s_coef * total + g_coef * gacc
        pltpu.sync_copy(stage_v, out_hbm.at[wid])

    return body(x, tgt)


def _tc_tail_combine(part, x, tgt2d, aligned, k_total, s_coef, g_coef):
    n, v = x.shape
    ntail = v - aligned

    def body(part_ref, tail_ref, tgt_ref, out_ref):
        blk = tail_ref[...]
        lane = lax.broadcasted_iota(jnp.int32, (n, 128), 1)
        col = aligned + lane
        s_tail = jnp.sum(jnp.where(lane < ntail, blk, 0.0))
        g_tail = jnp.sum(jnp.where(col == tgt_ref[...], blk, 0.0))
        out_ref[0] = (
            k_total - jnp.sum(part_ref[...]) - s_coef * s_tail - g_coef * g_tail
        )

    return pl.pallas_call(
        body,
        grid=(1,),
        in_specs=[
            pl.BlockSpec(part.shape, lambda i: (0, 0)),
            pl.BlockSpec((n, 128), lambda i: (0, aligned // 128)),
            pl.BlockSpec((n, 1), lambda i: (0, 0)),
        ],
        out_specs=pl.BlockSpec(memory_space=pltpu.SMEM),
        out_shape=jax.ShapeDtypeStruct((1,), jnp.float32),
    )(part, x, tgt2d)


def kernel(x, target):
    n, v = x.shape
    s = _SMOOTHING / (v - 1)
    c = _CONFIDENCE
    k_total = n * ((v - 1) * s * math.log(s) + c * math.log(c))
    aligned = (v // 128) * 128 - ((v // 128) % 11) * 128

    tgt = target.astype(jnp.int32)
    part = _sc_partials(x, tgt, aligned, s, c - s)
    return _tc_tail_combine(part, x, tgt.reshape(n, 1), aligned, k_total, s, c - s)[0]

# --- scband reference (transcript-rebuilt; emitter-appended) ---
"""Pipeline reference for scband-label-smoothing-2190433321298 (READ-ONLY COPY).

The authoritative reference and input builder live on the scoring server;
editing this copy changes nothing except your own understanding.
"""

import jax, jax.numpy as jnp
import numpy as np

SMOOTHING = 0.1
CONFIDENCE = 1.0 - SMOOTHING

def setup_inputs(seed: int = 0) -> dict:
    key = jax.random.key(seed)
    k1, k2 = jax.random.split(key)
    N, V = 1024, 100000
    # x plays the role of log-probabilities fed to KLDivLoss
    logits = jax.random.normal(k1, (N, V), dtype=jnp.float32)
    x = jax.nn.log_softmax(logits, axis=-1)
    target = jax.random.randint(k2, (N,), 0, V, dtype=jnp.int64)
    return {"x": x, "target": target}

def reference(x, target):
    N, V = x.shape
    smooth_val = SMOOTHING / (V - 1)
    true_dist = jnp.full((N, V), smooth_val, dtype=x.dtype)
    true_dist = true_dist.at[jnp.arange(N), target].set(CONFIDENCE)
    # KLDivLoss(size_average=False): sum over all elements of
    #   target * (log(target) - input)
    loss = jnp.sum(true_dist * (jnp.log(true_dist) - x))
    return loss

if __name__ == "__main__":
    import jax
    _d = setup_inputs()
    print(jax.jit(kernel)(*tuple(_d.values())))

</pallas_src>

<mosaic_0001>
#map = affine_map<(d0, d1) -> (0, 0)>
#map1 = affine_map<(d0, d1) -> (0)>
module attributes {stable_mosaic.version = 14 : i64} {
  func.func @body(%arg0: i32, %arg1: i32, %arg2: memref<1024x100000xf32, #tpu.memory_space<hbm>>, %arg3: memref<1024xi32, #tpu.memory_space<hbm>>, %arg4: memref<32x16xf32, #tpu.memory_space<hbm>>, %arg5: memref<32x1408xf32, #tpu.memory_space<vmem>>, %arg6: memref<32x1408xf32, #tpu.memory_space<vmem>>, %arg7: memref<32xi32, #tpu.memory_space<vmem>>, %arg8: memref<16xf32, #tpu.memory_space<vmem>>, %arg9: memref<!tpu.dma_semaphore, #tpu.memory_space<semaphore_mem>>, %arg10: memref<!tpu.dma_semaphore, #tpu.memory_space<semaphore_mem>>) attributes {dimension_semantics = [#tpu.dimension_semantics<core_parallel>, #tpu.dimension_semantics<subcore_parallel>], iteration_bounds = array<i64: 2, 16>, scalar_prefetch = 0 : i64, scratch_operands = 6 : i64, tpu.core_type = #tpu.core_type<sc_vector_subcore>, window_params = [{transform_indices = #map}, {transform_indices = #map1}, {transform_indices = #map}]} {
    %mul3A = arith.constant 2 : i32
    %mul3A_0 = arith.muli %arg1, %mul3A : i32
    %add3A = arith.addi %mul3A_0, %arg0 : i32
    %mul3A_1 = arith.constant 32 : i32
    %mul3A_2 = arith.muli %add3A, %mul3A_1 : i32
    "tpu.region"() ({
      %run_scoped3A = tpu.sem_alloc : memref<!tpu.dma_semaphore, #tpu.memory_space<semaphore_mem>>
      %dma_start3A_70 = tpu.memref_slice %arg3[%mul3A_2] : memref<1024xi32, #tpu.memory_space<hbm>> -> memref<32xi32, #tpu.memory_space<hbm>>
      %dma_start3A_71 = tpu.memref_slice %arg3[%mul3A_2] : memref<1024xi32, #tpu.memory_space<hbm>> -> memref<32xi32, #tpu.memory_space<hbm>>
      tpu.enqueue_dma source(%dma_start3A_71 : memref<32xi32, #tpu.memory_space<hbm>>) target(%arg7 : memref<32xi32, #tpu.memory_space<vmem>>) target_semaphore(%run_scoped3A : memref<!tpu.dma_semaphore, #tpu.memory_space<semaphore_mem>>)
      %dma_wait3A_72 = tpu.memref_slice %arg3[%mul3A_2] : memref<1024xi32, #tpu.memory_space<hbm>> -> memref<32xi32, #tpu.memory_space<hbm>>
      %dma_wait3A_73 = tpu.memref_slice %arg3[%mul3A_2] : memref<1024xi32, #tpu.memory_space<hbm>> -> memref<32xi32, #tpu.memory_space<hbm>>
      tpu.wait_dma2 semaphore(%run_scoped3A : memref<!tpu.dma_semaphore, #tpu.memory_space<semaphore_mem>>) src(%dma_wait3A_73 : memref<32xi32, #tpu.memory_space<hbm>>) dst(%arg7 : memref<32xi32, #tpu.memory_space<vmem>>)
      tpu.yield
    }) : () -> ()
    %get3A = arith.constant 0 : index
    %get3A_3 = tpu.vector_load %arg7[%get3A] {strides = array<i32>} : memref<32xi32, #tpu.memory_space<vmem>>, vector<16xi32>,
    %get3A_4 = arith.constant 16 : index
    %get3A_5 = tpu.vector_load %arg7[%get3A_4] {strides = array<i32>} : memref<32xi32, #tpu.memory_space<vmem>>, vector<16xi32>,
    %iota3A = tpu.iota {dimensions = array<i32: 0>} : vector<16xi32>
    %add3A_6 = arith.constant 16 : i32
    %add3A_7 = vector.broadcast %add3A_6 : i32 to vector<16xi32>
    %add3A_8 = arith.addi %iota3A, %add3A_7 : vector<16xi32>
    %multiple_of3A = arith.constant 0 : i32
    %multiple_of3A_9 = tpu.assume_multiple %multiple_of3A, 128 : i32
    %dma_start3A = tpu.memref_slice %arg2[%mul3A_2, %multiple_of3A_9] : memref<1024x100000xf32, #tpu.memory_space<hbm>> -> memref<32x1408xf32, #tpu.memory_space<hbm>>
    %dma_start3A_10 = tpu.memref_slice %arg2[%mul3A_2, %multiple_of3A_9] : memref<1024x100000xf32, #tpu.memory_space<hbm>> -> memref<32x1408xf32, #tpu.memory_space<hbm>>
    tpu.enqueue_dma source(%dma_start3A_10 : memref<32x1408xf32, #tpu.memory_space<hbm>>) target(%arg5 : memref<32x1408xf32, #tpu.memory_space<vmem>>) target_semaphore(%arg9 : memref<!tpu.dma_semaphore, #tpu.memory_space<semaphore_mem>>)
    %broadcast_in_dim3A = arith.constant 0.000000e+00 : f32
    %broadcast_in_dim3A_11 = vector.broadcast %broadcast_in_dim3A : f32 to vector<16xf32>
    %scan3A = arith.constant 0 : i32
    %scan3A_12 = arith.constant 35 : i32
    %scan3A_13 = arith.addi %scan3A, %scan3A_12 : i32
    %scan3A_14 = arith.constant 1 : i32
    %scan3A_15:9 = scf.for %scan3A_70 = %scan3A to %scan3A_13 step %scan3A_14 iter_args(%scan3A_71 = %broadcast_in_dim3A_11, %scan3A_72 = %broadcast_in_dim3A_11, %scan3A_73 = %broadcast_in_dim3A_11, %scan3A_74 = %broadcast_in_dim3A_11, %scan3A_75 = %broadcast_in_dim3A_11, %scan3A_76 = %broadcast_in_dim3A_11, %scan3A_77 = %broadcast_in_dim3A_11, %scan3A_78 = %broadcast_in_dim3A_11, %scan3A_79 = %broadcast_in_dim3A_11) -> (vector<16xf32>, vector<16xf32>, vector<16xf32>, vector<16xf32>, vector<16xf32>, vector<16xf32>, vector<16xf32>, vector<16xf32>, vector<16xf32>)  : i32 {
      %mul3A_80 = arith.constant 2816 : i32
      %mul3A_81 = arith.muli %scan3A_70, %mul3A_80 : i32
      %add3A_82 = arith.constant 1408 : i32
      %add3A_83 = arith.addi %mul3A_81, %add3A_82 : i32
      %multiple_of3A_84 = tpu.assume_multiple %mul3A_81, 128 : i32
      %dma_wait3A_85 = tpu.memref_slice %arg2[%mul3A_2, %multiple_of3A_84] : memref<1024x100000xf32, #tpu.memory_space<hbm>> -> memref<32x1408xf32, #tpu.memory_space<hbm>>
      %dma_wait3A_86 = tpu.memref_slice %arg2[%mul3A_2, %multiple_of3A_84] : memref<1024x100000xf32, #tpu.memory_space<hbm>> -> memref<32x1408xf32, #tpu.memory_space<hbm>>
      tpu.wait_dma2 semaphore(%arg9 : memref<!tpu.dma_semaphore, #tpu.memory_space<semaphore_mem>>) src(%dma_wait3A_86 : memref<32x1408xf32, #tpu.memory_space<hbm>>) dst(%arg5 : memref<32x1408xf32, #tpu.memory_space<vmem>>)
      %multiple_of3A_87 = tpu.assume_multiple %add3A_83, 128 : i32
      %dma_start3A_88 = tpu.memref_slice %arg2[%mul3A_2, %multiple_of3A_87] : memref<1024x100000xf32, #tpu.memory_space<hbm>> -> memref<32x1408xf32, #tpu.memory_space<hbm>>
      %dma_start3A_89 = tpu.memref_slice %arg2[%mul3A_2, %multiple_of3A_87] : memref<1024x100000xf32, #tpu.memory_space<hbm>> -> memref<32x1408xf32, #tpu.memory_space<hbm>>
      tpu.enqueue_dma source(%dma_start3A_89 : memref<32x1408xf32, #tpu.memory_space<hbm>>) target(%arg6 : memref<32x1408xf32, #tpu.memory_space<vmem>>) target_semaphore(%arg10 : memref<!tpu.dma_semaphore, #tpu.memory_space<semaphore_mem>>)
      %scan3A_90 = arith.constant 0 : i32
      %scan3A_91 = arith.constant 88 : i32
      %scan3A_92 = arith.addi %scan3A_90, %scan3A_91 : i32
      %scan3A_93 = arith.constant 1 : i32
      %scan3A_94:8 = scf.for %scan3A_178 = %scan3A_90 to %scan3A_92 step %scan3A_93 iter_args(%scan3A_179 = %scan3A_71, %scan3A_180 = %scan3A_72, %scan3A_181 = %scan3A_73, %scan3A_182 = %scan3A_74, %scan3A_183 = %scan3A_75, %scan3A_184 = %scan3A_76, %scan3A_185 = %scan3A_77, %scan3A_186 = %scan3A_78) -> (vector<16xf32>, vector<16xf32>, vector<16xf32>, vector<16xf32>, vector<16xf32>, vector<16xf32>, vector<16xf32>, vector<16xf32>)  : i32 {
        %mul3A_187 = arith.constant 16 : i32
        %mul3A_188 = arith.muli %scan3A_178, %mul3A_187 : i32
        %get3A_189 = arith.constant 0 : i32
        %get3A_190 = arith.index_cast %get3A_189 : i32 to index
        %get3A_191 = arith.index_cast %mul3A_188 : i32 to index
        %get3A_192 = tpu.vector_load %arg5[%get3A_190, %get3A_191] {strides = array<i32>} : memref<32x1408xf32, #tpu.memory_space<vmem>>, vector<16xf32>,
        %add3A_193 = arith.addf %scan3A_179, %get3A_192 : vector<16xf32>
        %mul3A_194 = arith.constant 16 : i32
        %mul3A_195 = arith.muli %scan3A_178, %mul3A_194 : i32
        %get3A_196 = arith.constant 1 : i32
        %get3A_197 = arith.index_cast %get3A_196 : i32 to index
        %get3A_198 = arith.index_cast %mul3A_195 : i32 to index
        %get3A_199 = tpu.vector_load %arg5[%get3A_197, %get3A_198] {strides = array<i32>} : memref<32x1408xf32, #tpu.memory_space<vmem>>, vector<16xf32>,
        %add3A_200 = arith.addf %scan3A_180, %get3A_199 : vector<16xf32>
        %mul3A_201 = arith.constant 16 : i32
        %mul3A_202 = arith.muli %scan3A_178, %mul3A_201 : i32
        %get3A_203 = arith.constant 2 : i32
        %get3A_204 = arith.index_cast %get3A_203 : i32 to index
        %get3A_205 = arith.index_cast %mul3A_202 : i32 to index
        %get3A_206 = tpu.vector_load %arg5[%get3A_204, %get3A_205] {strides = array<i32>} : memref<32x1408xf32, #tpu.memory_space<vmem>>, vector<16xf32>,
        %add3A_207 = arith.addf %scan3A_181, %get3A_206 : vector<16xf32>
        %mul3A_208 = arith.constant 16 : i32
        %mul3A_209 = arith.muli %scan3A_178, %mul3A_208 : i32
        %get3A_210 = arith.constant 3 : i32
        %get3A_211 = arith.index_cast %get3A_210 : i32 to index
        %get3A_212 = arith.index_cast %mul3A_209 : i32 to index
        %get3A_213 = tpu.vector_load %arg5[%get3A_211, %get3A_212] {strides = array<i32>} : memref<32x1408xf32, #tpu.memory_space<vmem>>, vector<16xf32>,
        %add3A_214 = arith.addf %scan3A_182, %get3A_213 : vector<16xf32>
        %mul3A_215 = arith.constant 16 : i32
        %mul3A_216 = arith.muli %scan3A_178, %mul3A_215 : i32
        %get3A_217 = arith.constant 4 : i32
        %get3A_218 = arith.index_cast %get3A_217 : i32 to index
        %get3A_219 = arith.index_cast %mul3A_216 : i32 to index
        %get3A_220 = tpu.vector_load %arg5[%get3A_218, %get3A_219] {strides = array<i32>} : memref<32x1408xf32, #tpu.memory_space<vmem>>, vector<16xf32>,
        %add3A_221 = arith.addf %scan3A_183, %get3A_220 : vector<16xf32>
        %mul3A_222 = arith.constant 16 : i32
        %mul3A_223 = arith.muli %scan3A_178, %mul3A_222 : i32
        %get3A_224 = arith.constant 5 : i32
        %get3A_225 = arith.index_cast %get3A_224 : i32 to index
        %get3A_226 = arith.index_cast %mul3A_223 : i32 to index
        %get3A_227 = tpu.vector_load %arg5[%get3A_225, %get3A_226] {strides = array<i32>} : memref<32x1408xf32, #tpu.memory_space<vmem>>, vector<16xf32>,
        %add3A_228 = arith.addf %scan3A_184, %get3A_227 : vector<16xf32>
        %mul3A_229 = arith.constant 16 : i32
        %mul3A_230 = arith.muli %scan3A_178, %mul3A_229 : i32
        %get3A_231 = arith.constant 6 : i32
        %get3A_232 = arith.index_cast %get3A_231 : i32 to index
        %get3A_233 = arith.index_cast %mul3A_230 : i32 to index
        %get3A_234 = tpu.vector_load %arg5[%get3A_232, %get3A_233] {strides = array<i32>} : memref<32x1408xf32, #tpu.memory_space<vmem>>, vector<16xf32>,
        %add3A_235 = arith.addf %scan3A_185, %get3A_234 : vector<16xf32>
        %mul3A_236 = arith.constant 16 : i32
        %mul3A_237 = arith.muli %scan3A_178, %mul3A_236 : i32
        %get3A_238 = arith.constant 7 : i32
        %get3A_239 = arith.index_cast %get3A_238 : i32 to index
        %get3A_240 = arith.index_cast %mul3A_237 : i32 to index
        %get3A_241 = tpu.vector_load %arg5[%get3A_239, %get3A_240] {strides = array<i32>} : memref<32x1408xf32, #tpu.memory_space<vmem>>, vector<16xf32>,
        %add3A_242 = arith.addf %scan3A_186, %get3A_241 : vector<16xf32>
        %mul3A_243 = arith.constant 16 : i32
        %mul3A_244 = arith.muli %scan3A_178, %mul3A_243 : i32
        %get3A_245 = arith.constant 8 : i32
        %get3A_246 = arith.index_cast %get3A_245 : i32 to index
        %get3A_247 = arith.index_cast %mul3A_244 : i32 to index
        %get3A_248 = tpu.vector_load %arg5[%get3A_246, %get3A_247] {strides = array<i32>} : memref<32x1408xf32, #tpu.memory_space<vmem>>, vector<16xf32>,
        %add3A_249 = arith.addf %add3A_193, %get3A_248 : vector<16xf32>
        %mul3A_250 = arith.constant 16 : i32
        %mul3A_251 = arith.muli %scan3A_178, %mul3A_250 : i32
        %get3A_252 = arith.constant 9 : i32
        %get3A_253 = arith.index_cast %get3A_252 : i32 to index
        %get3A_254 = arith.index_cast %mul3A_251 : i32 to index
        %get3A_255 = tpu.vector_load %arg5[%get3A_253, %get3A_254] {strides = array<i32>} : memref<32x1408xf32, #tpu.memory_space<vmem>>, vector<16xf32>,
        %add3A_256 = arith.addf %add3A_200, %get3A_255 : vector<16xf32>
        %mul3A_257 = arith.constant 16 : i32
        %mul3A_258 = arith.muli %scan3A_178, %mul3A_257 : i32
        %get3A_259 = arith.constant 10 : i32
        %get3A_260 = arith.index_cast %get3A_259 : i32 to index
        %get3A_261 = arith.index_cast %mul3A_258 : i32 to index
        %get3A_262 = tpu.vector_load %arg5[%get3A_260, %get3A_261] {strides = array<i32>} : memref<32x1408xf32, #tpu.memory_space<vmem>>, vector<16xf32>,
        %add3A_263 = arith.addf %add3A_207, %get3A_262 : vector<16xf32>
        %mul3A_264 = arith.constant 16 : i32
        %mul3A_265 = arith.muli %scan3A_178, %mul3A_264 : i32
        %get3A_266 = arith.constant 11 : i32
        %get3A_267 = arith.index_cast %get3A_266 : i32 to index
        %get3A_268 = arith.index_cast %mul3A_265 : i32 to index
        %get3A_269 = tpu.vector_load %arg5[%get3A_267, %get3A_268] {strides = array<i32>} : memref<32x1408xf32, #tpu.memory_space<vmem>>, vector<16xf32>,
        %add3A_270 = arith.addf %add3A_214, %get3A_269 : vector<16xf32>
        %mul3A_271 = arith.constant 16 : i32
        %mul3A_272 = arith.muli %scan3A_178, %mul3A_271 : i32
        %get3A_273 = arith.constant 12 : i32
        %get3A_274 = arith.index_cast %get3A_273 : i32 to index
        %get3A_275 = arith.index_cast %mul3A_272 : i32 to index
        %get3A_276 = tpu.vector_load %arg5[%get3A_274, %get3A_275] {strides = array<i32>} : memref<32x1408xf32, #tpu.memory_space<vmem>>, vector<16xf32>,
        %add3A_277 = arith.addf %add3A_221, %get3A_276 : vector<16xf32>
        %mul3A_278 = arith.constant 16 : i32
        %mul3A_279 = arith.muli %scan3A_178, %mul3A_278 : i32
        %get3A_280 = arith.constant 13 : i32
        %get3A_281 = arith.index_cast %get3A_280 : i32 to index
        %get3A_282 = arith.index_cast %mul3A_279 : i32 to index
        %get3A_283 = tpu.vector_load %arg5[%get3A_281, %get3A_282] {strides = array<i32>} : memref<32x1408xf32, #tpu.memory_space<vmem>>, vector<16xf32>,
        %add3A_284 = arith.addf %add3A_228, %get3A_283 : vector<16xf32>
        %mul3A_285 = arith.constant 16 : i32
        %mul3A_286 = arith.muli %scan3A_178, %mul3A_285 : i32
        %get3A_287 = arith.constant 14 : i32
        %get3A_288 = arith.index_cast %get3A_287 : i32 to index
        %get3A_289 = arith.index_cast %mul3A_286 : i32 to index
        %get3A_290 = tpu.vector_load %arg5[%get3A_288, %get3A_289] {strides = array<i32>} : memref<32x1408xf32, #tpu.memory_space<vmem>>, vector<16xf32>,
        %add3A_291 = arith.addf %add3A_235, %get3A_290 : vector<16xf32>
        %mul3A_292 = arith.constant 16 : i32
        %mul3A_293 = arith.muli %scan3A_178, %mul3A_292 : i32
        %get3A_294 = arith.constant 15 : i32
        %get3A_295 = arith.index_cast %get3A_294 : i32 to index
        %get3A_296 = arith.index_cast %mul3A_293 : i32 to index
        %get3A_297 = tpu.vector_load %arg5[%get3A_295, %get3A_296] {strides = array<i32>} : memref<32x1408xf32, #tpu.memory_space<vmem>>, vector<16xf32>,
        %add3A_298 = arith.addf %add3A_242, %get3A_297 : vector<16xf32>
        %mul3A_299 = arith.constant 16 : i32
        %mul3A_300 = arith.muli %scan3A_178, %mul3A_299 : i32
        %get3A_301 = arith.constant 16 : i32
        %get3A_302 = arith.index_cast %get3A_301 : i32 to index
        %get3A_303 = arith.index_cast %mul3A_300 : i32 to index
        %get3A_304 = tpu.vector_load %arg5[%get3A_302, %get3A_303] {strides = array<i32>} : memref<32x1408xf32, #tpu.memory_space<vmem>>, vector<16xf32>,
        %add3A_305 = arith.addf %add3A_249, %get3A_304 : vector<16xf32>
        %mul3A_306 = arith.constant 16 : i32
        %mul3A_307 = arith.muli %scan3A_178, %mul3A_306 : i32
        %get3A_308 = arith.constant 17 : i32
        %get3A_309 = arith.index_cast %get3A_308 : i32 to index
        %get3A_310 = arith.index_cast %mul3A_307 : i32 to index
        %get3A_311 = tpu.vector_load %arg5[%get3A_309, %get3A_310] {strides = array<i32>} : memref<32x1408xf32, #tpu.memory_space<vmem>>, vector<16xf32>,
        %add3A_312 = arith.addf %add3A_256, %get3A_311 : vector<16xf32>
        %mul3A_313 = arith.constant 16 : i32
        %mul3A_314 = arith.muli %scan3A_178, %mul3A_313 : i32
        %get3A_315 = arith.constant 18 : i32
        %get3A_316 = arith.index_cast %get3A_315 : i32 to index
        %get3A_317 = arith.index_cast %mul3A_314 : i32 to index
        %get3A_318 = tpu.vector_load %arg5[%get3A_316, %get3A_317] {strides = array<i32>} : memref<32x1408xf32, #tpu.memory_space<vmem>>, vector<16xf32>,
        %add3A_319 = arith.addf %add3A_263, %get3A_318 : vector<16xf32>
        %mul3A_320 = arith.constant 16 : i32
        %mul3A_321 = arith.muli %scan3A_178, %mul3A_320 : i32
        %get3A_322 = arith.constant 19 : i32
        %get3A_323 = arith.index_cast %get3A_322 : i32 to index
        %get3A_324 = arith.index_cast %mul3A_321 : i32 to index
        %get3A_325 = tpu.vector_load %arg5[%get3A_323, %get3A_324] {strides = array<i32>} : memref<32x1408xf32, #tpu.memory_space<vmem>>, vector<16xf32>,
        %add3A_326 = arith.addf %add3A_270, %get3A_325 : vector<16xf32>
        %mul3A_327 = arith.constant 16 : i32
        %mul3A_328 = arith.muli %scan3A_178, %mul3A_327 : i32
        %get3A_329 = arith.constant 20 : i32
        %get3A_330 = arith.index_cast %get3A_329 : i32 to index
        %get3A_331 = arith.index_cast %mul3A_328 : i32 to index
        %get3A_332 = tpu.vector_load %arg5[%get3A_330, %get3A_331] {strides = array<i32>} : memref<32x1408xf32, #tpu.memory_space<vmem>>, vector<16xf32>,
        %add3A_333 = arith.addf %add3A_277, %get3A_332 : vector<16xf32>
        %mul3A_334 = arith.constant 16 : i32
        %mul3A_335 = arith.muli %scan3A_178, %mul3A_334 : i32
        %get3A_336 = arith.constant 21 : i32
        %get3A_337 = arith.index_cast %get3A_336 : i32 to index
        %get3A_338 = arith.index_cast %mul3A_335 : i32 to index
        %get3A_339 = tpu.vector_load %arg5[%get3A_337, %get3A_338] {strides = array<i32>} : memref<32x1408xf32, #tpu.memory_space<vmem>>, vector<16xf32>,
        %add3A_340 = arith.addf %add3A_284, %get3A_339 : vector<16xf32>
        %mul3A_341 = arith.constant 16 : i32
        %mul3A_342 = arith.muli %scan3A_178, %mul3A_341 : i32
        %get3A_343 = arith.constant 22 : i32
        %get3A_344 = arith.index_cast %get3A_343 : i32 to index
        %get3A_345 = arith.index_cast %mul3A_342 : i32 to index
        %get3A_346 = tpu.vector_load %arg5[%get3A_344, %get3A_345] {strides = array<i32>} : memref<32x1408xf32, #tpu.memory_space<vmem>>, vector<16xf32>,
        %add3A_347 = arith.addf %add3A_291, %get3A_346 : vector<16xf32>
        %mul3A_348 = arith.constant 16 : i32
        %mul3A_349 = arith.muli %scan3A_178, %mul3A_348 : i32
        %get3A_350 = arith.constant 23 : i32
        %get3A_351 = arith.index_cast %get3A_350 : i32 to index
        %get3A_352 = arith.index_cast %mul3A_349 : i32 to index
        %get3A_353 = tpu.vector_load %arg5[%get3A_351, %get3A_352] {strides = array<i32>} : memref<32x1408xf32, #tpu.memory_space<vmem>>, vector<16xf32>,
        %add3A_354 = arith.addf %add3A_298, %get3A_353 : vector<16xf32>
        %mul3A_355 = arith.constant 16 : i32
        %mul3A_356 = arith.muli %scan3A_178, %mul3A_355 : i32
        %get3A_357 = arith.constant 24 : i32
        %get3A_358 = arith.index_cast %get3A_357 : i32 to index
        %get3A_359 = arith.index_cast %mul3A_356 : i32 to index
        %get3A_360 = tpu.vector_load %arg5[%get3A_358, %get3A_359] {strides = array<i32>} : memref<32x1408xf32, #tpu.memory_space<vmem>>, vector<16xf32>,
        %add3A_361 = arith.addf %add3A_305, %get3A_360 : vector<16xf32>
        %mul3A_362 = arith.constant 16 : i32
        %mul3A_363 = arith.muli %scan3A_178, %mul3A_362 : i32
        %get3A_364 = arith.constant 25 : i32
        %get3A_365 = arith.index_cast %get3A_364 : i32 to index
        %get3A_366 = arith.index_cast %mul3A_363 : i32 to index
        %get3A_367 = tpu.vector_load %arg5[%get3A_365, %get3A_366] {strides = array<i32>} : memref<32x1408xf32, #tpu.memory_space<vmem>>, vector<16xf32>,
        %add3A_368 = arith.addf %add3A_312, %get3A_367 : vector<16xf32>
        %mul3A_369 = arith.constant 16 : i32
        %mul3A_370 = arith.muli %scan3A_178, %mul3A_369 : i32
        %get3A_371 = arith.constant 26 : i32
        %get3A_372 = arith.index_cast %get3A_371 : i32 to index
        %get3A_373 = arith.index_cast %mul3A_370 : i32 to index
        %get3A_374 = tpu.vector_load %arg5[%get3A_372, %get3A_373] {strides = array<i32>} : memref<32x1408xf32, #tpu.memory_space<vmem>>, vector<16xf32>,
        %add3A_375 = arith.addf %add3A_319, %get3A_374 : vector<16xf32>
        %mul3A_376 = arith.constant 16 : i32
        %mul3A_377 = arith.muli %scan3A_178, %mul3A_376 : i32
        %get3A_378 = arith.constant 27 : i32
        %get3A_379 = arith.index_cast %get3A_378 : i32 to index
        %get3A_380 = arith.index_cast %mul3A_377 : i32 to index
        %get3A_381 = tpu.vector_load %arg5[%get3A_379, %get3A_380] {strides = array<i32>} : memref<32x1408xf32, #tpu.memory_space<vmem>>, vector<16xf32>,
        %add3A_382 = arith.addf %add3A_326, %get3A_381 : vector<16xf32>
        %mul3A_383 = arith.constant 16 : i32
        %mul3A_384 = arith.muli %scan3A_178, %mul3A_383 : i32
        %get3A_385 = arith.constant 28 : i32
        %get3A_386 = arith.index_cast %get3A_385 : i32 to index
        %get3A_387 = arith.index_cast %mul3A_384 : i32 to index
        %get3A_388 = tpu.vector_load %arg5[%get3A_386, %get3A_387] {strides = array<i32>} : memref<32x1408xf32, #tpu.memory_space<vmem>>, vector<16xf32>,
        %add3A_389 = arith.addf %add3A_333, %get3A_388 : vector<16xf32>
        %mul3A_390 = arith.constant 16 : i32
        %mul3A_391 = arith.muli %scan3A_178, %mul3A_390 : i32
        %get3A_392 = arith.constant 29 : i32
        %get3A_393 = arith.index_cast %get3A_392 : i32 to index
        %get3A_394 = arith.index_cast %mul3A_391 : i32 to index
        %get3A_395 = tpu.vector_load %arg5[%get3A_393, %get3A_394] {strides = array<i32>} : memref<32x1408xf32, #tpu.memory_space<vmem>>, vector<16xf32>,
        %add3A_396 = arith.addf %add3A_340, %get3A_395 : vector<16xf32>
        %mul3A_397 = arith.constant 16 : i32
        %mul3A_398 = arith.muli %scan3A_178, %mul3A_397 : i32
        %get3A_399 = arith.constant 30 : i32
        %get3A_400 = arith.index_cast %get3A_399 : i32 to index
        %get3A_401 = arith.index_cast %mul3A_398 : i32 to index
        %get3A_402 = tpu.vector_load %arg5[%get3A_400, %get3A_401] {strides = array<i32>} : memref<32x1408xf32, #tpu.memory_space<vmem>>, vector<16xf32>,
        %add3A_403 = arith.addf %add3A_347, %get3A_402 : vector<16xf32>
        %mul3A_404 = arith.constant 16 : i32
        %mul3A_405 = arith.muli %scan3A_178, %mul3A_404 : i32
        %get3A_406 = arith.constant 31 : i32
        %get3A_407 = arith.index_cast %get3A_406 : i32 to index
        %get3A_408 = arith.index_cast %mul3A_405 : i32 to index
        %get3A_409 = tpu.vector_load %arg5[%get3A_407, %get3A_408] {strides = array<i32>} : memref<32x1408xf32, #tpu.memory_space<vmem>>, vector<16xf32>,
        %add3A_410 = arith.addf %add3A_354, %get3A_409 : vector<16xf32>
        scf.yield %add3A_361, %add3A_368, %add3A_375, %add3A_382, %add3A_389, %add3A_396, %add3A_403, %add3A_410 : vector<16xf32>, vector<16xf32>, vector<16xf32>, vector<16xf32>, vector<16xf32>, vector<16xf32>, vector<16xf32>, vector<16xf32>
      }
      %scan3A_95 = arith.constant 88 : i32
      %ge3A_96 = vector.broadcast %mul3A_81 : i32 to vector<16xi32>
      %ge3A_97 = arith.cmpi sge, %get3A_3, %ge3A_96 : vector<16xi32>
      %add3A_98 = arith.constant 1408 : i32
      %add3A_99 = arith.addi %mul3A_81, %add3A_98 : i32
      %lt3A_100 = vector.broadcast %add3A_99 : i32 to vector<16xi32>
      %lt3A_101 = arith.cmpi slt, %get3A_3, %lt3A_100 : vector<16xi32>
      %and3A_102 = arith.andi %ge3A_97, %lt3A_101 : vector<16xi1>
      %sub3A_103 = vector.broadcast %mul3A_81 : i32 to vector<16xi32>
      %sub3A_104 = arith.subi %get3A_3, %sub3A_103 : vector<16xi32>
      %jit3A_105 = arith.constant 0 : i32
      %broadcast_in_dim3A_106 = vector.broadcast %jit3A_105 : i32 to vector<16xi32>
      %select_n3A_107 = arith.select %and3A_102, %sub3A_104, %broadcast_in_dim3A_106 : vector<16xi1>, vector<16xi32>
      %gather3A_108 = tpu.vector_load_idx %arg5[%iota3A, %select_n3A_107] masked %and3A_102 : memref<32x1408xf32, #tpu.memory_space<vmem>>[vector<16xi32>, vector<16xi32>], vector<16xf32>, vector<16xi1>
      %jit3A_109 = arith.constant 0.000000e+00 : f32
      %broadcast_in_dim3A_110 = vector.broadcast %jit3A_109 : f32 to vector<16xf32>
      %select_n3A_111 = arith.select %and3A_102, %gather3A_108, %broadcast_in_dim3A_110 : vector<16xi1>, vector<16xf32>
      %add3A_112 = arith.addf %scan3A_79, %select_n3A_111 : vector<16xf32>
      %ge3A_113 = vector.broadcast %mul3A_81 : i32 to vector<16xi32>
      %ge3A_114 = arith.cmpi sge, %get3A_5, %ge3A_113 : vector<16xi32>
      %add3A_115 = arith.constant 1408 : i32
      %add3A_116 = arith.addi %mul3A_81, %add3A_115 : i32
      %lt3A_117 = vector.broadcast %add3A_116 : i32 to vector<16xi32>
      %lt3A_118 = arith.cmpi slt, %get3A_5, %lt3A_117 : vector<16xi32>
      %and3A_119 = arith.andi %ge3A_114, %lt3A_118 : vector<16xi1>
      %sub3A_120 = vector.broadcast %mul3A_81 : i32 to vector<16xi32>
      %sub3A_121 = arith.subi %get3A_5, %sub3A_120 : vector<16xi32>
      %jit3A_122 = arith.constant 0 : i32
      %broadcast_in_dim3A_123 = vector.broadcast %jit3A_122 : i32 to vector<16xi32>
      %select_n3A_124 = arith.select %and3A_119, %sub3A_121, %broadcast_in_dim3A_123 : vector<16xi1>, vector<16xi32>
      %gather3A_125 = tpu.vector_load_idx %arg5[%add3A_8, %select_n3A_124] masked %and3A_119 : memref<32x1408xf32, #tpu.memory_space<vmem>>[vector<16xi32>, vector<16xi32>], vector<16xf32>, vector<16xi1>
      %jit3A_126 = arith.constant 0.000000e+00 : f32
      %broadcast_in_dim3A_127 = vector.broadcast %jit3A_126 : f32 to vector<16xf32>
      %select_n3A_128 = arith.select %and3A_119, %gather3A_125, %broadcast_in_dim3A_127 : vector<16xi1>, vector<16xf32>
      %add3A_129 = arith.addf %add3A_112, %select_n3A_128 : vector<16xf32>
      %add3A_130 = arith.constant 2816 : i32
      %add3A_131 = arith.addi %mul3A_81, %add3A_130 : i32
      %multiple_of3A_132 = tpu.assume_multiple %add3A_131, 128 : i32
      %dma_start3A_133 = tpu.memref_slice %arg2[%mul3A_2, %multiple_of3A_132] : memref<1024x100000xf32, #tpu.memory_space<hbm>> -> memref<32x1408xf32, #tpu.memory_space<hbm>>
      %dma_start3A_134 = tpu.memref_slice %arg2[%mul3A_2, %multiple_of3A_132] : memref<1024x100000xf32, #tpu.memory_space<hbm>> -> memref<32x1408xf32, #tpu.memory_space<hbm>>
      tpu.enqueue_dma source(%dma_start3A_134 : memref<32x1408xf32, #tpu.memory_space<hbm>>) target(%arg5 : memref<32x1408xf32, #tpu.memory_space<vmem>>) target_semaphore(%arg9 : memref<!tpu.dma_semaphore, #tpu.memory_space<semaphore_mem>>)
      %multiple_of3A_135 = tpu.assume_multiple %add3A_83, 128 : i32
      %dma_wait3A_136 = tpu.memref_slice %arg2[%mul3A_2, %multiple_of3A_135] : memref<1024x100000xf32, #tpu.memory_space<hbm>> -> memref<32x1408xf32, #tpu.memory_space<hbm>>
      %dma_wait3A_137 = tpu.memref_slice %arg2[%mul3A_2, %multiple_of3A_135] : memref<1024x100000xf32, #tpu.memory_space<hbm>> -> memref<32x1408xf32, #tpu.memory_space<hbm>>
      tpu.wait_dma2 semaphore(%arg10 : memref<!tpu.dma_semaphore, #tpu.memory_space<semaphore_mem>>) src(%dma_wait3A_137 : memref<32x1408xf32, #tpu.memory_space<hbm>>) dst(%arg6 : memref<32x1408xf32, #tpu.memory_space<vmem>>)
      %scan3A_138 = arith.constant 0 : i32
      %scan3A_139 = arith.constant 88 : i32
      %scan3A_140 = arith.addi %scan3A_138, %scan3A_139 : i32
      %scan3A_141 = arith.constant 1 : i32
      %scan3A_142:8 = scf.for %scan3A_178 = %scan3A_138 to %scan3A_140 step %scan3A_141 iter_args(%scan3A_179 = %scan3A_94#0, %scan3A_180 = %scan3A_94#1, %scan3A_181 = %scan3A_94#2, %scan3A_182 = %scan3A_94#3, %scan3A_183 = %scan3A_94#4, %scan3A_184 = %scan3A_94#5, %scan3A_185 = %scan3A_94#6, %scan3A_186 = %scan3A_94#7) -> (vector<16xf32>, vector<16xf32>, vector<16xf32>, vector<16xf32>, vector<16xf32>, vector<16xf32>, vector<16xf32>, vector<16xf32>)  : i32 {
        %mul3A_187 = arith.constant 16 : i32
        %mul3A_188 = arith.muli %scan3A_178, %mul3A_187 : i32
        %get3A_189 = arith.constant 0 : i32
        %get3A_190 = arith.index_cast %get3A_189 : i32 to index
        %get3A_191 = arith.index_cast %mul3A_188 : i32 to index
        %get3A_192 = tpu.vector_load %arg6[%get3A_190, %get3A_191] {strides = array<i32>} : memref<32x1408xf32, #tpu.memory_space<vmem>>, vector<16xf32>,
        %add3A_193 = arith.addf %scan3A_179, %get3A_192 : vector<16xf32>
        %mul3A_194 = arith.constant 16 : i32
        %mul3A_195 = arith.muli %scan3A_178, %mul3A_194 : i32
        %get3A_196 = arith.constant 1 : i32
        %get3A_197 = arith.index_cast %get3A_196 : i32 to index
        %get3A_198 = arith.index_cast %mul3A_195 : i32 to index
        %get3A_199 = tpu.vector_load %arg6[%get3A_197, %get3A_198] {strides = array<i32>} : memref<32x1408xf32, #tpu.memory_space<vmem>>, vector<16xf32>,
        %add3A_200 = arith.addf %scan3A_180, %get3A_199 : vector<16xf32>
        %mul3A_201 = arith.constant 16 : i32
        %mul3A_202 = arith.muli %scan3A_178, %mul3A_201 : i32
        %get3A_203 = arith.constant 2 : i32
        %get3A_204 = arith.index_cast %get3A_203 : i32 to index
        %get3A_205 = arith.index_cast %mul3A_202 : i32 to index
        %get3A_206 = tpu.vector_load %arg6[%get3A_204, %get3A_205] {strides = array<i32>} : memref<32x1408xf32, #tpu.memory_space<vmem>>, vector<16xf32>,
        %add3A_207 = arith.addf %scan3A_181, %get3A_206 : vector<16xf32>
        %mul3A_208 = arith.constant 16 : i32
        %mul3A_209 = arith.muli %scan3A_178, %mul3A_208 : i32
        %get3A_210 = arith.constant 3 : i32
        %get3A_211 = arith.index_cast %get3A_210 : i32 to index
        %get3A_212 = arith.index_cast %mul3A_209 : i32 to index
        %get3A_213 = tpu.vector_load %arg6[%get3A_211, %get3A_212] {strides = array<i32>} : memref<32x1408xf32, #tpu.memory_space<vmem>>, vector<16xf32>,
        %add3A_214 = arith.addf %scan3A_182, %get3A_213 : vector<16xf32>
        %mul3A_215 = arith.constant 16 : i32
        %mul3A_216 = arith.muli %scan3A_178, %mul3A_215 : i32
        %get3A_217 = arith.constant 4 : i32
        %get3A_218 = arith.index_cast %get3A_217 : i32 to index
        %get3A_219 = arith.index_cast %mul3A_216 : i32 to index
        %get3A_220 = tpu.vector_load %arg6[%get3A_218, %get3A_219] {strides = array<i32>} : memref<32x1408xf32, #tpu.memory_space<vmem>>, vector<16xf32>,
        %add3A_221 = arith.addf %scan3A_183, %get3A_220 : vector<16xf32>
        %mul3A_222 = arith.constant 16 : i32
        %mul3A_223 = arith.muli %scan3A_178, %mul3A_222 : i32
        %get3A_224 = arith.constant 5 : i32
        %get3A_225 = arith.index_cast %get3A_224 : i32 to index
        %get3A_226 = arith.index_cast %mul3A_223 : i32 to index
        %get3A_227 = tpu.vector_load %arg6[%get3A_225, %get3A_226] {strides = array<i32>} : memref<32x1408xf32, #tpu.memory_space<vmem>>, vector<16xf32>,
        %add3A_228 = arith.addf %scan3A_184, %get3A_227 : vector<16xf32>
        %mul3A_229 = arith.constant 16 : i32
        %mul3A_230 = arith.muli %scan3A_178, %mul3A_229 : i32
        %get3A_231 = arith.constant 6 : i32
        %get3A_232 = arith.index_cast %get3A_231 : i32 to index
        %get3A_233 = arith.index_cast %mul3A_230 : i32 to index
        %get3A_234 = tpu.vector_load %arg6[%get3A_232, %get3A_233] {strides = array<i32>} : memref<32x1408xf32, #tpu.memory_space<vmem>>, vector<16xf32>,
        %add3A_235 = arith.addf %scan3A_185, %get3A_234 : vector<16xf32>
        %mul3A_236 = arith.constant 16 : i32
        %mul3A_237 = arith.muli %scan3A_178, %mul3A_236 : i32
        %get3A_238 = arith.constant 7 : i32
        %get3A_239 = arith.index_cast %get3A_238 : i32 to index
        %get3A_240 = arith.index_cast %mul3A_237 : i32 to index
        %get3A_241 = tpu.vector_load %arg6[%get3A_239, %get3A_240] {strides = array<i32>} : memref<32x1408xf32, #tpu.memory_space<vmem>>, vector<16xf32>,
        %add3A_242 = arith.addf %scan3A_186, %get3A_241 : vector<16xf32>
        %mul3A_243 = arith.constant 16 : i32
        %mul3A_244 = arith.muli %scan3A_178, %mul3A_243 : i32
        %get3A_245 = arith.constant 8 : i32
        %get3A_246 = arith.index_cast %get3A_245 : i32 to index
        %get3A_247 = arith.index_cast %mul3A_244 : i32 to index
        %get3A_248 = tpu.vector_load %arg6[%get3A_246, %get3A_247] {strides = array<i32>} : memref<32x1408xf32, #tpu.memory_space<vmem>>, vector<16xf32>,
        %add3A_249 = arith.addf %add3A_193, %get3A_248 : vector<16xf32>
        %mul3A_250 = arith.constant 16 : i32
        %mul3A_251 = arith.muli %scan3A_178, %mul3A_250 : i32
        %get3A_252 = arith.constant 9 : i32
        %get3A_253 = arith.index_cast %get3A_252 : i32 to index
        %get3A_254 = arith.index_cast %mul3A_251 : i32 to index
        %get3A_255 = tpu.vector_load %arg6[%get3A_253, %get3A_254] {strides = array<i32>} : memref<32x1408xf32, #tpu.memory_space<vmem>>, vector<16xf32>,
        %add3A_256 = arith.addf %add3A_200, %get3A_255 : vector<16xf32>
        %mul3A_257 = arith.constant 16 : i32
        %mul3A_258 = arith.muli %scan3A_178, %mul3A_257 : i32
        %get3A_259 = arith.constant 10 : i32
        %get3A_260 = arith.index_cast %get3A_259 : i32 to index
        %get3A_261 = arith.index_cast %mul3A_258 : i32 to index
        %get3A_262 = tpu.vector_load %arg6[%get3A_260, %get3A_261] {strides = array<i32>} : memref<32x1408xf32, #tpu.memory_space<vmem>>, vector<16xf32>,
        %add3A_263 = arith.addf %add3A_207, %get3A_262 : vector<16xf32>
        %mul3A_264 = arith.constant 16 : i32
        %mul3A_265 = arith.muli %scan3A_178, %mul3A_264 : i32
        %get3A_266 = arith.constant 11 : i32
        %get3A_267 = arith.index_cast %get3A_266 : i32 to index
        %get3A_268 = arith.index_cast %mul3A_265 : i32 to index
        %get3A_269 = tpu.vector_load %arg6[%get3A_267, %get3A_268] {strides = array<i32>} : memref<32x1408xf32, #tpu.memory_space<vmem>>, vector<16xf32>,
        %add3A_270 = arith.addf %add3A_214, %get3A_269 : vector<16xf32>
        %mul3A_271 = arith.constant 16 : i32
        %mul3A_272 = arith.muli %scan3A_178, %mul3A_271 : i32
        %get3A_273 = arith.constant 12 : i32
        %get3A_274 = arith.index_cast %get3A_273 : i32 to index
        %get3A_275 = arith.index_cast %mul3A_272 : i32 to index
        %get3A_276 = tpu.vector_load %arg6[%get3A_274, %get3A_275] {strides = array<i32>} : memref<32x1408xf32, #tpu.memory_space<vmem>>, vector<16xf32>,
        %add3A_277 = arith.addf %add3A_221, %get3A_276 : vector<16xf32>
        %mul3A_278 = arith.constant 16 : i32
        %mul3A_279 = arith.muli %scan3A_178, %mul3A_278 : i32
        %get3A_280 = arith.constant 13 : i32
        %get3A_281 = arith.index_cast %get3A_280 : i32 to index
        %get3A_282 = arith.index_cast %mul3A_279 : i32 to index
        %get3A_283 = tpu.vector_load %arg6[%get3A_281, %get3A_282] {strides = array<i32>} : memref<32x1408xf32, #tpu.memory_space<vmem>>, vector<16xf32>,
        %add3A_284 = arith.addf %add3A_228, %get3A_283 : vector<16xf32>
        %mul3A_285 = arith.constant 16 : i32
        %mul3A_286 = arith.muli %scan3A_178, %mul3A_285 : i32
        %get3A_287 = arith.constant 14 : i32
        %get3A_288 = arith.index_cast %get3A_287 : i32 to index
        %get3A_289 = arith.index_cast %mul3A_286 : i32 to index
        %get3A_290 = tpu.vector_load %arg6[%get3A_288, %get3A_289] {strides = array<i32>} : memref<32x1408xf32, #tpu.memory_space<vmem>>, vector<16xf32>,
        %add3A_291 = arith.addf %add3A_235, %get3A_290 : vector<16xf32>
        %mul3A_292 = arith.constant 16 : i32
        %mul3A_293 = arith.muli %scan3A_178, %mul3A_292 : i32
        %get3A_294 = arith.constant 15 : i32
        %get3A_295 = arith.index_cast %get3A_294 : i32 to index
        %get3A_296 = arith.index_cast %mul3A_293 : i32 to index
        %get3A_297 = tpu.vector_load %arg6[%get3A_295, %get3A_296] {strides = array<i32>} : memref<32x1408xf32, #tpu.memory_space<vmem>>, vector<16xf32>,
        %add3A_298 = arith.addf %add3A_242, %get3A_297 : vector<16xf32>
        %mul3A_299 = arith.constant 16 : i32
        %mul3A_300 = arith.muli %scan3A_178, %mul3A_299 : i32
        %get3A_301 = arith.constant 16 : i32
        %get3A_302 = arith.index_cast %get3A_301 : i32 to index
        %get3A_303 = arith.index_cast %mul3A_300 : i32 to index
        %get3A_304 = tpu.vector_load %arg6[%get3A_302, %get3A_303] {strides = array<i32>} : memref<32x1408xf32, #tpu.memory_space<vmem>>, vector<16xf32>,
        %add3A_305 = arith.addf %add3A_249, %get3A_304 : vector<16xf32>
        %mul3A_306 = arith.constant 16 : i32
        %mul3A_307 = arith.muli %scan3A_178, %mul3A_306 : i32
        %get3A_308 = arith.constant 17 : i32
        %get3A_309 = arith.index_cast %get3A_308 : i32 to index
        %get3A_310 = arith.index_cast %mul3A_307 : i32 to index
        %get3A_311 = tpu.vector_load %arg6[%get3A_309, %get3A_310] {strides = array<i32>} : memref<32x1408xf32, #tpu.memory_space<vmem>>, vector<16xf32>,
        %add3A_312 = arith.addf %add3A_256, %get3A_311 : vector<16xf32>
        %mul3A_313 = arith.constant 16 : i32
        %mul3A_314 = arith.muli %scan3A_178, %mul3A_313 : i32
        %get3A_315 = arith.constant 18 : i32
        %get3A_316 = arith.index_cast %get3A_315 : i32 to index
        %get3A_317 = arith.index_cast %mul3A_314 : i32 to index
        %get3A_318 = tpu.vector_load %arg6[%get3A_316, %get3A_317] {strides = array<i32>} : memref<32x1408xf32, #tpu.memory_space<vmem>>, vector<16xf32>,
        %add3A_319 = arith.addf %add3A_263, %get3A_318 : vector<16xf32>
        %mul3A_320 = arith.constant 16 : i32
        %mul3A_321 = arith.muli %scan3A_178, %mul3A_320 : i32
        %get3A_322 = arith.constant 19 : i32
        %get3A_323 = arith.index_cast %get3A_322 : i32 to index
        %get3A_324 = arith.index_cast %mul3A_321 : i32 to index
        %get3A_325 = tpu.vector_load %arg6[%get3A_323, %get3A_324] {strides = array<i32>} : memref<32x1408xf32, #tpu.memory_space<vmem>>, vector<16xf32>,
        %add3A_326 = arith.addf %add3A_270, %get3A_325 : vector<16xf32>
        %mul3A_327 = arith.constant 16 : i32
        %mul3A_328 = arith.muli %scan3A_178, %mul3A_327 : i32
        %get3A_329 = arith.constant 20 : i32
        %get3A_330 = arith.index_cast %get3A_329 : i32 to index
        %get3A_331 = arith.index_cast %mul3A_328 : i32 to index
        %get3A_332 = tpu.vector_load %arg6[%get3A_330, %get3A_331] {strides = array<i32>} : memref<32x1408xf32, #tpu.memory_space<vmem>>, vector<16xf32>,
        %add3A_333 = arith.addf %add3A_277, %get3A_332 : vector<16xf32>
        %mul3A_334 = arith.constant 16 : i32
        %mul3A_335 = arith.muli %scan3A_178, %mul3A_334 : i32
        %get3A_336 = arith.constant 21 : i32
        %get3A_337 = arith.index_cast %get3A_336 : i32 to index
        %get3A_338 = arith.index_cast %mul3A_335 : i32 to index
        %get3A_339 = tpu.vector_load %arg6[%get3A_337, %get3A_338] {strides = array<i32>} : memref<32x1408xf32, #tpu.memory_space<vmem>>, vector<16xf32>,
        %add3A_340 = arith.addf %add3A_284, %get3A_339 : vector<16xf32>
        %mul3A_341 = arith.constant 16 : i32
        %mul3A_342 = arith.muli %scan3A_178, %mul3A_341 : i32
        %get3A_343 = arith.constant 22 : i32
        %get3A_344 = arith.index_cast %get3A_343 : i32 to index
        %get3A_345 = arith.index_cast %mul3A_342 : i32 to index
        %get3A_346 = tpu.vector_load %arg6[%get3A_344, %get3A_345] {strides = array<i32>} : memref<32x1408xf32, #tpu.memory_space<vmem>>, vector<16xf32>,
        %add3A_347 = arith.addf %add3A_291, %get3A_346 : vector<16xf32>
        %mul3A_348 = arith.constant 16 : i32
        %mul3A_349 = arith.muli %scan3A_178, %mul3A_348 : i32
        %get3A_350 = arith.constant 23 : i32
        %get3A_351 = arith.index_cast %get3A_350 : i32 to index
        %get3A_352 = arith.index_cast %mul3A_349 : i32 to index
        %get3A_353 = tpu.vector_load %arg6[%get3A_351, %get3A_352] {strides = array<i32>} : memref<32x1408xf32, #tpu.memory_space<vmem>>, vector<16xf32>,
        %add3A_354 = arith.addf %add3A_298, %get3A_353 : vector<16xf32>
        %mul3A_355 = arith.constant 16 : i32
        %mul3A_356 = arith.muli %scan3A_178, %mul3A_355 : i32
        %get3A_357 = arith.constant 24 : i32
        %get3A_358 = arith.index_cast %get3A_357 : i32 to index
        %get3A_359 = arith.index_cast %mul3A_356 : i32 to index
        %get3A_360 = tpu.vector_load %arg6[%get3A_358, %get3A_359] {strides = array<i32>} : memref<32x1408xf32, #tpu.memory_space<vmem>>, vector<16xf32>,
        %add3A_361 = arith.addf %add3A_305, %get3A_360 : vector<16xf32>
        %mul3A_362 = arith.constant 16 : i32
        %mul3A_363 = arith.muli %scan3A_178, %mul3A_362 : i32
        %get3A_364 = arith.constant 25 : i32
        %get3A_365 = arith.index_cast %get3A_364 : i32 to index
        %get3A_366 = arith.index_cast %mul3A_363 : i32 to index
        %get3A_367 = tpu.vector_load %arg6[%get3A_365, %get3A_366] {strides = array<i32>} : memref<32x1408xf32, #tpu.memory_space<vmem>>, vector<16xf32>,
        %add3A_368 = arith.addf %add3A_312, %get3A_367 : vector<16xf32>
        %mul3A_369 = arith.constant 16 : i32
        %mul3A_370 = arith.muli %scan3A_178, %mul3A_369 : i32
        %get3A_371 = arith.constant 26 : i32
        %get3A_372 = arith.index_cast %get3A_371 : i32 to index
        %get3A_373 = arith.index_cast %mul3A_370 : i32 to index
        %get3A_374 = tpu.vector_load %arg6[%get3A_372, %get3A_373] {strides = array<i32>} : memref<32x1408xf32, #tpu.memory_space<vmem>>, vector<16xf32>,
        %add3A_375 = arith.addf %add3A_319, %get3A_374 : vector<16xf32>
        %mul3A_376 = arith.constant 16 : i32
        %mul3A_377 = arith.muli %scan3A_178, %mul3A_376 : i32
        %get3A_378 = arith.constant 27 : i32
        %get3A_379 = arith.index_cast %get3A_378 : i32 to index
        %get3A_380 = arith.index_cast %mul3A_377 : i32 to index
        %get3A_381 = tpu.vector_load %arg6[%get3A_379, %get3A_380] {strides = array<i32>} : memref<32x1408xf32, #tpu.memory_space<vmem>>, vector<16xf32>,
        %add3A_382 = arith.addf %add3A_326, %get3A_381 : vector<16xf32>
        %mul3A_383 = arith.constant 16 : i32
        %mul3A_384 = arith.muli %scan3A_178, %mul3A_383 : i32
        %get3A_385 = arith.constant 28 : i32
        %get3A_386 = arith.index_cast %get3A_385 : i32 to index
        %get3A_387 = arith.index_cast %mul3A_384 : i32 to index
        %get3A_388 = tpu.vector_load %arg6[%get3A_386, %get3A_387] {strides = array<i32>} : memref<32x1408xf32, #tpu.memory_space<vmem>>, vector<16xf32>,
        %add3A_389 = arith.addf %add3A_333, %get3A_388 : vector<16xf32>
        %mul3A_390 = arith.constant 16 : i32
        %mul3A_391 = arith.muli %scan3A_178, %mul3A_390 : i32
        %get3A_392 = arith.constant 29 : i32
        %get3A_393 = arith.index_cast %get3A_392 : i32 to index
        %get3A_394 = arith.index_cast %mul3A_391 : i32 to index
        %get3A_395 = tpu.vector_load %arg6[%get3A_393, %get3A_394] {strides = array<i32>} : memref<32x1408xf32, #tpu.memory_space<vmem>>, vector<16xf32>,
        %add3A_396 = arith.addf %add3A_340, %get3A_395 : vector<16xf32>
        %mul3A_397 = arith.constant 16 : i32
        %mul3A_398 = arith.muli %scan3A_178, %mul3A_397 : i32
        %get3A_399 = arith.constant 30 : i32
        %get3A_400 = arith.index_cast %get3A_399 : i32 to index
        %get3A_401 = arith.index_cast %mul3A_398 : i32 to index
        %get3A_402 = tpu.vector_load %arg6[%get3A_400, %get3A_401] {strides = array<i32>} : memref<32x1408xf32, #tpu.memory_space<vmem>>, vector<16xf32>,
        %add3A_403 = arith.addf %add3A_347, %get3A_402 : vector<16xf32>
        %mul3A_404 = arith.constant 16 : i32
        %mul3A_405 = arith.muli %scan3A_178, %mul3A_404 : i32
        %get3A_406 = arith.constant 31 : i32
        %get3A_407 = arith.index_cast %get3A_406 : i32 to index
        %get3A_408 = arith.index_cast %mul3A_405 : i32 to index
        %get3A_409 = tpu.vector_load %arg6[%get3A_407, %get3A_408] {strides = array<i32>} : memref<32x1408xf32, #tpu.memory_space<vmem>>, vector<16xf32>,
        %add3A_410 = arith.addf %add3A_354, %get3A_409 : vector<16xf32>
        scf.yield %add3A_361, %add3A_368, %add3A_375, %add3A_382, %add3A_389, %add3A_396, %add3A_403, %add3A_410 : vector<16xf32>, vector<16xf32>, vector<16xf32>, vector<16xf32>, vector<16xf32>, vector<16xf32>, vector<16xf32>, vector<16xf32>
      }
      %scan3A_143 = arith.constant 88 : i32
      %ge3A_144 = vector.broadcast %add3A_83 : i32 to vector<16xi32>
      %ge3A_145 = arith.cmpi sge, %get3A_3, %ge3A_144 : vector<16xi32>
      %add3A_146 = arith.constant 1408 : i32
      %add3A_147 = arith.addi %add3A_83, %add3A_146 : i32
      %lt3A_148 = vector.broadcast %add3A_147 : i32 to vector<16xi32>
      %lt3A_149 = arith.cmpi slt, %get3A_3, %lt3A_148 : vector<16xi32>
      %and3A_150 = arith.andi %ge3A_145, %lt3A_149 : vector<16xi1>
      %sub3A_151 = vector.broadcast %add3A_83 : i32 to vector<16xi32>
      %sub3A_152 = arith.subi %get3A_3, %sub3A_151 : vector<16xi32>
      %jit3A_153 = arith.constant 0 : i32
      %broadcast_in_dim3A_154 = vector.broadcast %jit3A_153 : i32 to vector<16xi32>
      %select_n3A_155 = arith.select %and3A_150, %sub3A_152, %broadcast_in_dim3A_154 : vector<16xi1>, vector<16xi32>
      %gather3A_156 = tpu.vector_load_idx %arg6[%iota3A, %select_n3A_155] masked %and3A_150 : memref<32x1408xf32, #tpu.memory_space<vmem>>[vector<16xi32>, vector<16xi32>], vector<16xf32>, vector<16xi1>
      %jit3A_157 = arith.constant 0.000000e+00 : f32
      %broadcast_in_dim3A_158 = vector.broadcast %jit3A_157 : f32 to vector<16xf32>
      %select_n3A_159 = arith.select %and3A_150, %gather3A_156, %broadcast_in_dim3A_158 : vector<16xi1>, vector<16xf32>
      %add3A_160 = arith.addf %add3A_129, %select_n3A_159 : vector<16xf32>
      %ge3A_161 = vector.broadcast %add3A_83 : i32 to vector<16xi32>
      %ge3A_162 = arith.cmpi sge, %get3A_5, %ge3A_161 : vector<16xi32>
      %add3A_163 = arith.constant 1408 : i32
      %add3A_164 = arith.addi %add3A_83, %add3A_163 : i32
      %lt3A_165 = vector.broadcast %add3A_164 : i32 to vector<16xi32>
      %lt3A_166 = arith.cmpi slt, %get3A_5, %lt3A_165 : vector<16xi32>
      %and3A_167 = arith.andi %ge3A_162, %lt3A_166 : vector<16xi1>
      %sub3A_168 = vector.broadcast %add3A_83 : i32 to vector<16xi32>
      %sub3A_169 = arith.subi %get3A_5, %sub3A_168 : vector<16xi32>
      %jit3A_170 = arith.constant 0 : i32
      %broadcast_in_dim3A_171 = vector.broadcast %jit3A_170 : i32 to vector<16xi32>
      %select_n3A_172 = arith.select %and3A_167, %sub3A_169, %broadcast_in_dim3A_171 : vector<16xi1>, vector<16xi32>
      %gather3A_173 = tpu.vector_load_idx %arg6[%add3A_8, %select_n3A_172] masked %and3A_167 : memref<32x1408xf32, #tpu.memory_space<vmem>>[vector<16xi32>, vector<16xi32>], vector<16xf32>, vector<16xi1>
      %jit3A_174 = arith.constant 0.000000e+00 : f32
      %broadcast_in_dim3A_175 = vector.broadcast %jit3A_174 : f32 to vector<16xf32>
      %select_n3A_176 = arith.select %and3A_167, %gather3A_173, %broadcast_in_dim3A_175 : vector<16xi1>, vector<16xf32>
      %add3A_177 = arith.addf %add3A_160, %select_n3A_176 : vector<16xf32>
      scf.yield %scan3A_142#0, %scan3A_142#1, %scan3A_142#2, %scan3A_142#3, %scan3A_142#4, %scan3A_142#5, %scan3A_142#6, %scan3A_142#7, %add3A_177 : vector<16xf32>, vector<16xf32>, vector<16xf32>, vector<16xf32>, vector<16xf32>, vector<16xf32>, vector<16xf32>, vector<16xf32>, vector<16xf32>
    }
    %scan3A_16 = arith.constant 35 : i32
    %multiple_of3A_17 = arith.constant 98560 : i32
    %multiple_of3A_18 = tpu.assume_multiple %multiple_of3A_17, 128 : i32
    %dma_wait3A = tpu.memref_slice %arg2[%mul3A_2, %multiple_of3A_18] : memref<1024x100000xf32, #tpu.memory_space<hbm>> -> memref<32x1408xf32, #tpu.memory_space<hbm>>
    %dma_wait3A_19 = tpu.memref_slice %arg2[%mul3A_2, %multiple_of3A_18] : memref<1024x100000xf32, #tpu.memory_space<hbm>> -> memref<32x1408xf32, #tpu.memory_space<hbm>>
    tpu.wait_dma2 semaphore(%arg9 : memref<!tpu.dma_semaphore, #tpu.memory_space<semaphore_mem>>) src(%dma_wait3A_19 : memref<32x1408xf32, #tpu.memory_space<hbm>>) dst(%arg5 : memref<32x1408xf32, #tpu.memory_space<vmem>>)
    %scan3A_20 = arith.constant 0 : i32
    %scan3A_21 = arith.constant 88 : i32
    %scan3A_22 = arith.addi %scan3A_20, %scan3A_21 : i32
    %scan3A_23 = arith.constant 1 : i32
    %scan3A_24:8 = scf.for %scan3A_70 = %scan3A_20 to %scan3A_22 step %scan3A_23 iter_args(%scan3A_71 = %scan3A_15#0, %scan3A_72 = %scan3A_15#1, %scan3A_73 = %scan3A_15#2, %scan3A_74 = %scan3A_15#3, %scan3A_75 = %scan3A_15#4, %scan3A_76 = %scan3A_15#5, %scan3A_77 = %scan3A_15#6, %scan3A_78 = %scan3A_15#7) -> (vector<16xf32>, vector<16xf32>, vector<16xf32>, vector<16xf32>, vector<16xf32>, vector<16xf32>, vector<16xf32>, vector<16xf32>)  : i32 {
      %mul3A_79 = arith.constant 16 : i32
      %mul3A_80 = arith.muli %scan3A_70, %mul3A_79 : i32
      %get3A_81 = arith.constant 0 : i32
      %get3A_82 = arith.index_cast %get3A_81 : i32 to index
      %get3A_83 = arith.index_cast %mul3A_80 : i32 to index
      %get3A_84 = tpu.vector_load %arg5[%get3A_82, %get3A_83] {strides = array<i32>} : memref<32x1408xf32, #tpu.memory_space<vmem>>, vector<16xf32>,
      %add3A_85 = arith.addf %scan3A_71, %get3A_84 : vector<16xf32>
      %mul3A_86 = arith.constant 16 : i32
      %mul3A_87 = arith.muli %scan3A_70, %mul3A_86 : i32
      %get3A_88 = arith.constant 1 : i32
      %get3A_89 = arith.index_cast %get3A_88 : i32 to index
      %get3A_90 = arith.index_cast %mul3A_87 : i32 to index
      %get3A_91 = tpu.vector_load %arg5[%get3A_89, %get3A_90] {strides = array<i32>} : memref<32x1408xf32, #tpu.memory_space<vmem>>, vector<16xf32>,
      %add3A_92 = arith.addf %scan3A_72, %get3A_91 : vector<16xf32>
      %mul3A_93 = arith.constant 16 : i32
      %mul3A_94 = arith.muli %scan3A_70, %mul3A_93 : i32
      %get3A_95 = arith.constant 2 : i32
      %get3A_96 = arith.index_cast %get3A_95 : i32 to index
      %get3A_97 = arith.index_cast %mul3A_94 : i32 to index
      %get3A_98 = tpu.vector_load %arg5[%get3A_96, %get3A_97] {strides = array<i32>} : memref<32x1408xf32, #tpu.memory_space<vmem>>, vector<16xf32>,
      %add3A_99 = arith.addf %scan3A_73, %get3A_98 : vector<16xf32>
      %mul3A_100 = arith.constant 16 : i32
      %mul3A_101 = arith.muli %scan3A_70, %mul3A_100 : i32
      %get3A_102 = arith.constant 3 : i32
      %get3A_103 = arith.index_cast %get3A_102 : i32 to index
      %get3A_104 = arith.index_cast %mul3A_101 : i32 to index
      %get3A_105 = tpu.vector_load %arg5[%get3A_103, %get3A_104] {strides = array<i32>} : memref<32x1408xf32, #tpu.memory_space<vmem>>, vector<16xf32>,
      %add3A_106 = arith.addf %scan3A_74, %get3A_105 : vector<16xf32>
      %mul3A_107 = arith.constant 16 : i32
      %mul3A_108 = arith.muli %scan3A_70, %mul3A_107 : i32
      %get3A_109 = arith.constant 4 : i32
      %get3A_110 = arith.index_cast %get3A_109 : i32 to index
      %get3A_111 = arith.index_cast %mul3A_108 : i32 to index
      %get3A_112 = tpu.vector_load %arg5[%get3A_110, %get3A_111] {strides = array<i32>} : memref<32x1408xf32, #tpu.memory_space<vmem>>, vector<16xf32>,
      %add3A_113 = arith.addf %scan3A_75, %get3A_112 : vector<16xf32>
      %mul3A_114 = arith.constant 16 : i32
      %mul3A_115 = arith.muli %scan3A_70, %mul3A_114 : i32
      %get3A_116 = arith.constant 5 : i32
      %get3A_117 = arith.index_cast %get3A_116 : i32 to index
      %get3A_118 = arith.index_cast %mul3A_115 : i32 to index
      %get3A_119 = tpu.vector_load %arg5[%get3A_117, %get3A_118] {strides = array<i32>} : memref<32x1408xf32, #tpu.memory_space<vmem>>, vector<16xf32>,
      %add3A_120 = arith.addf %scan3A_76, %get3A_119 : vector<16xf32>
      %mul3A_121 = arith.constant 16 : i32
      %mul3A_122 = arith.muli %scan3A_70, %mul3A_121 : i32
      %get3A_123 = arith.constant 6 : i32
      %get3A_124 = arith.index_cast %get3A_123 : i32 to index
      %get3A_125 = arith.index_cast %mul3A_122 : i32 to index
      %get3A_126 = tpu.vector_load %arg5[%get3A_124, %get3A_125] {strides = array<i32>} : memref<32x1408xf32, #tpu.memory_space<vmem>>, vector<16xf32>,
      %add3A_127 = arith.addf %scan3A_77, %get3A_126 : vector<16xf32>
      %mul3A_128 = arith.constant 16 : i32
      %mul3A_129 = arith.muli %scan3A_70, %mul3A_128 : i32
      %get3A_130 = arith.constant 7 : i32
      %get3A_131 = arith.index_cast %get3A_130 : i32 to index
      %get3A_132 = arith.index_cast %mul3A_129 : i32 to index
      %get3A_133 = tpu.vector_load %arg5[%get3A_131, %get3A_132] {strides = array<i32>} : memref<32x1408xf32, #tpu.memory_space<vmem>>, vector<16xf32>,
      %add3A_134 = arith.addf %scan3A_78, %get3A_133 : vector<16xf32>
      %mul3A_135 = arith.constant 16 : i32
      %mul3A_136 = arith.muli %scan3A_70, %mul3A_135 : i32
      %get3A_137 = arith.constant 8 : i32
      %get3A_138 = arith.index_cast %get3A_137 : i32 to index
      %get3A_139 = arith.index_cast %mul3A_136 : i32 to index
      %get3A_140 = tpu.vector_load %arg5[%get3A_138, %get3A_139] {strides = array<i32>} : memref<32x1408xf32, #tpu.memory_space<vmem>>, vector<16xf32>,
      %add3A_141 = arith.addf %add3A_85, %get3A_140 : vector<16xf32>
      %mul3A_142 = arith.constant 16 : i32
      %mul3A_143 = arith.muli %scan3A_70, %mul3A_142 : i32
      %get3A_144 = arith.constant 9 : i32
      %get3A_145 = arith.index_cast %get3A_144 : i32 to index
      %get3A_146 = arith.index_cast %mul3A_143 : i32 to index
      %get3A_147 = tpu.vector_load %arg5[%get3A_145, %get3A_146] {strides = array<i32>} : memref<32x1408xf32, #tpu.memory_space<vmem>>, vector<16xf32>,
      %add3A_148 = arith.addf %add3A_92, %get3A_147 : vector<16xf32>
      %mul3A_149 = arith.constant 16 : i32
      %mul3A_150 = arith.muli %scan3A_70, %mul3A_149 : i32
      %get3A_151 = arith.constant 10 : i32
      %get3A_152 = arith.index_cast %get3A_151 : i32 to index
      %get3A_153 = arith.index_cast %mul3A_150 : i32 to index
      %get3A_154 = tpu.vector_load %arg5[%get3A_152, %get3A_153] {strides = array<i32>} : memref<32x1408xf32, #tpu.memory_space<vmem>>, vector<16xf32>,
      %add3A_155 = arith.addf %add3A_99, %get3A_154 : vector<16xf32>
      %mul3A_156 = arith.constant 16 : i32
      %mul3A_157 = arith.muli %scan3A_70, %mul3A_156 : i32
      %get3A_158 = arith.constant 11 : i32
      %get3A_159 = arith.index_cast %get3A_158 : i32 to index
      %get3A_160 = arith.index_cast %mul3A_157 : i32 to index
      %get3A_161 = tpu.vector_load %arg5[%get3A_159, %get3A_160] {strides = array<i32>} : memref<32x1408xf32, #tpu.memory_space<vmem>>, vector<16xf32>,
      %add3A_162 = arith.addf %add3A_106, %get3A_161 : vector<16xf32>
      %mul3A_163 = arith.constant 16 : i32
      %mul3A_164 = arith.muli %scan3A_70, %mul3A_163 : i32
      %get3A_165 = arith.constant 12 : i32
      %get3A_166 = arith.index_cast %get3A_165 : i32 to index
      %get3A_167 = arith.index_cast %mul3A_164 : i32 to index
      %get3A_168 = tpu.vector_load %arg5[%get3A_166, %get3A_167] {strides = array<i32>} : memref<32x1408xf32, #tpu.memory_space<vmem>>, vector<16xf32>,
      %add3A_169 = arith.addf %add3A_113, %get3A_168 : vector<16xf32>
      %mul3A_170 = arith.constant 16 : i32
      %mul3A_171 = arith.muli %scan3A_70, %mul3A_170 : i32
      %get3A_172 = arith.constant 13 : i32
      %get3A_173 = arith.index_cast %get3A_172 : i32 to index
      %get3A_174 = arith.index_cast %mul3A_171 : i32 to index
      %get3A_175 = tpu.vector_load %arg5[%get3A_173, %get3A_174] {strides = array<i32>} : memref<32x1408xf32, #tpu.memory_space<vmem>>, vector<16xf32>,
      %add3A_176 = arith.addf %add3A_120, %get3A_175 : vector<16xf32>
      %mul3A_177 = arith.constant 16 : i32
      %mul3A_178 = arith.muli %scan3A_70, %mul3A_177 : i32
      %get3A_179 = arith.constant 14 : i32
      %get3A_180 = arith.index_cast %get3A_179 : i32 to index
      %get3A_181 = arith.index_cast %mul3A_178 : i32 to index
      %get3A_182 = tpu.vector_load %arg5[%get3A_180, %get3A_181] {strides = array<i32>} : memref<32x1408xf32, #tpu.memory_space<vmem>>, vector<16xf32>,
      %add3A_183 = arith.addf %add3A_127, %get3A_182 : vector<16xf32>
      %mul3A_184 = arith.constant 16 : i32
      %mul3A_185 = arith.muli %scan3A_70, %mul3A_184 : i32
      %get3A_186 = arith.constant 15 : i32
      %get3A_187 = arith.index_cast %get3A_186 : i32 to index
      %get3A_188 = arith.index_cast %mul3A_185 : i32 to index
      %get3A_189 = tpu.vector_load %arg5[%get3A_187, %get3A_188] {strides = array<i32>} : memref<32x1408xf32, #tpu.memory_space<vmem>>, vector<16xf32>,
      %add3A_190 = arith.addf %add3A_134, %get3A_189 : vector<16xf32>
      %mul3A_191 = arith.constant 16 : i32
      %mul3A_192 = arith.muli %scan3A_70, %mul3A_191 : i32
      %get3A_193 = arith.constant 16 : i32
      %get3A_194 = arith.index_cast %get3A_193 : i32 to index
      %get3A_195 = arith.index_cast %mul3A_192 : i32 to index
      %get3A_196 = tpu.vector_load %arg5[%get3A_194, %get3A_195] {strides = array<i32>} : memref<32x1408xf32, #tpu.memory_space<vmem>>, vector<16xf32>,
      %add3A_197 = arith.addf %add3A_141, %get3A_196 : vector<16xf32>
      %mul3A_198 = arith.constant 16 : i32
      %mul3A_199 = arith.muli %scan3A_70, %mul3A_198 : i32
      %get3A_200 = arith.constant 17 : i32
      %get3A_201 = arith.index_cast %get3A_200 : i32 to index
      %get3A_202 = arith.index_cast %mul3A_199 : i32 to index
      %get3A_203 = tpu.vector_load %arg5[%get3A_201, %get3A_202] {strides = array<i32>} : memref<32x1408xf32, #tpu.memory_space<vmem>>, vector<16xf32>,
      %add3A_204 = arith.addf %add3A_148, %get3A_203 : vector<16xf32>
      %mul3A_205 = arith.constant 16 : i32
      %mul3A_206 = arith.muli %scan3A_70, %mul3A_205 : i32
      %get3A_207 = arith.constant 18 : i32
      %get3A_208 = arith.index_cast %get3A_207 : i32 to index
      %get3A_209 = arith.index_cast %mul3A_206 : i32 to index
      %get3A_210 = tpu.vector_load %arg5[%get3A_208, %get3A_209] {strides = array<i32>} : memref<32x1408xf32, #tpu.memory_space<vmem>>, vector<16xf32>,
      %add3A_211 = arith.addf %add3A_155, %get3A_210 : vector<16xf32>
      %mul3A_212 = arith.constant 16 : i32
      %mul3A_213 = arith.muli %scan3A_70, %mul3A_212 : i32
      %get3A_214 = arith.constant 19 : i32
      %get3A_215 = arith.index_cast %get3A_214 : i32 to index
      %get3A_216 = arith.index_cast %mul3A_213 : i32 to index
      %get3A_217 = tpu.vector_load %arg5[%get3A_215, %get3A_216] {strides = array<i32>} : memref<32x1408xf32, #tpu.memory_space<vmem>>, vector<16xf32>,
      %add3A_218 = arith.addf %add3A_162, %get3A_217 : vector<16xf32>
      %mul3A_219 = arith.constant 16 : i32
      %mul3A_220 = arith.muli %scan3A_70, %mul3A_219 : i32
      %get3A_221 = arith.constant 20 : i32
      %get3A_222 = arith.index_cast %get3A_221 : i32 to index
      %get3A_223 = arith.index_cast %mul3A_220 : i32 to index
      %get3A_224 = tpu.vector_load %arg5[%get3A_222, %get3A_223] {strides = array<i32>} : memref<32x1408xf32, #tpu.memory_space<vmem>>, vector<16xf32>,
      %add3A_225 = arith.addf %add3A_169, %get3A_224 : vector<16xf32>
      %mul3A_226 = arith.constant 16 : i32
      %mul3A_227 = arith.muli %scan3A_70, %mul3A_226 : i32
      %get3A_228 = arith.constant 21 : i32
      %get3A_229 = arith.index_cast %get3A_228 : i32 to index
      %get3A_230 = arith.index_cast %mul3A_227 : i32 to index
      %get3A_231 = tpu.vector_load %arg5[%get3A_229, %get3A_230] {strides = array<i32>} : memref<32x1408xf32, #tpu.memory_space<vmem>>, vector<16xf32>,
      %add3A_232 = arith.addf %add3A_176, %get3A_231 : vector<16xf32>
      %mul3A_233 = arith.constant 16 : i32
      %mul3A_234 = arith.muli %scan3A_70, %mul3A_233 : i32
      %get3A_235 = arith.constant 22 : i32
      %get3A_236 = arith.index_cast %get3A_235 : i32 to index
      %get3A_237 = arith.index_cast %mul3A_234 : i32 to index
      %get3A_238 = tpu.vector_load %arg5[%get3A_236, %get3A_237] {strides = array<i32>} : memref<32x1408xf32, #tpu.memory_space<vmem>>, vector<16xf32>,
      %add3A_239 = arith.addf %add3A_183, %get3A_238 : vector<16xf32>
      %mul3A_240 = arith.constant 16 : i32
      %mul3A_241 = arith.muli %scan3A_70, %mul3A_240 : i32
      %get3A_242 = arith.constant 23 : i32
      %get3A_243 = arith.index_cast %get3A_242 : i32 to index
      %get3A_244 = arith.index_cast %mul3A_241 : i32 to index
      %get3A_245 = tpu.vector_load %arg5[%get3A_243, %get3A_244] {strides = array<i32>} : memref<32x1408xf32, #tpu.memory_space<vmem>>, vector<16xf32>,
      %add3A_246 = arith.addf %add3A_190, %get3A_245 : vector<16xf32>
      %mul3A_247 = arith.constant 16 : i32
      %mul3A_248 = arith.muli %scan3A_70, %mul3A_247 : i32
      %get3A_249 = arith.constant 24 : i32
      %get3A_250 = arith.index_cast %get3A_249 : i32 to index
      %get3A_251 = arith.index_cast %mul3A_248 : i32 to index
      %get3A_252 = tpu.vector_load %arg5[%get3A_250, %get3A_251] {strides = array<i32>} : memref<32x1408xf32, #tpu.memory_space<vmem>>, vector<16xf32>,
      %add3A_253 = arith.addf %add3A_197, %get3A_252 : vector<16xf32>
      %mul3A_254 = arith.constant 16 : i32
      %mul3A_255 = arith.muli %scan3A_70, %mul3A_254 : i32
      %get3A_256 = arith.constant 25 : i32
      %get3A_257 = arith.index_cast %get3A_256 : i32 to index
      %get3A_258 = arith.index_cast %mul3A_255 : i32 to index
      %get3A_259 = tpu.vector_load %arg5[%get3A_257, %get3A_258] {strides = array<i32>} : memref<32x1408xf32, #tpu.memory_space<vmem>>, vector<16xf32>,
      %add3A_260 = arith.addf %add3A_204, %get3A_259 : vector<16xf32>
      %mul3A_261 = arith.constant 16 : i32
      %mul3A_262 = arith.muli %scan3A_70, %mul3A_261 : i32
      %get3A_263 = arith.constant 26 : i32
      %get3A_264 = arith.index_cast %get3A_263 : i32 to index
      %get3A_265 = arith.index_cast %mul3A_262 : i32 to index
      %get3A_266 = tpu.vector_load %arg5[%get3A_264, %get3A_265] {strides = array<i32>} : memref<32x1408xf32, #tpu.memory_space<vmem>>, vector<16xf32>,
      %add3A_267 = arith.addf %add3A_211, %get3A_266 : vector<16xf32>
      %mul3A_268 = arith.constant 16 : i32
      %mul3A_269 = arith.muli %scan3A_70, %mul3A_268 : i32
      %get3A_270 = arith.constant 27 : i32
      %get3A_271 = arith.index_cast %get3A_270 : i32 to index
      %get3A_272 = arith.index_cast %mul3A_269 : i32 to index
      %get3A_273 = tpu.vector_load %arg5[%get3A_271, %get3A_272] {strides = array<i32>} : memref<32x1408xf32, #tpu.memory_space<vmem>>, vector<16xf32>,
      %add3A_274 = arith.addf %add3A_218, %get3A_273 : vector<16xf32>
      %mul3A_275 = arith.constant 16 : i32
      %mul3A_276 = arith.muli %scan3A_70, %mul3A_275 : i32
      %get3A_277 = arith.constant 28 : i32
      %get3A_278 = arith.index_cast %get3A_277 : i32 to index
      %get3A_279 = arith.index_cast %mul3A_276 : i32 to index
      %get3A_280 = tpu.vector_load %arg5[%get3A_278, %get3A_279] {strides = array<i32>} : memref<32x1408xf32, #tpu.memory_space<vmem>>, vector<16xf32>,
      %add3A_281 = arith.addf %add3A_225, %get3A_280 : vector<16xf32>
      %mul3A_282 = arith.constant 16 : i32
      %mul3A_283 = arith.muli %scan3A_70, %mul3A_282 : i32
      %get3A_284 = arith.constant 29 : i32
      %get3A_285 = arith.index_cast %get3A_284 : i32 to index
      %get3A_286 = arith.index_cast %mul3A_283 : i32 to index
      %get3A_287 = tpu.vector_load %arg5[%get3A_285, %get3A_286] {strides = array<i32>} : memref<32x1408xf32, #tpu.memory_space<vmem>>, vector<16xf32>,
      %add3A_288 = arith.addf %add3A_232, %get3A_287 : vector<16xf32>
      %mul3A_289 = arith.constant 16 : i32
      %mul3A_290 = arith.muli %scan3A_70, %mul3A_289 : i32
      %get3A_291 = arith.constant 30 : i32
      %get3A_292 = arith.index_cast %get3A_291 : i32 to index
      %get3A_293 = arith.index_cast %mul3A_290 : i32 to index
      %get3A_294 = tpu.vector_load %arg5[%get3A_292, %get3A_293] {strides = array<i32>} : memref<32x1408xf32, #tpu.memory_space<vmem>>, vector<16xf32>,
      %add3A_295 = arith.addf %add3A_239, %get3A_294 : vector<16xf32>
      %mul3A_296 = arith.constant 16 : i32
      %mul3A_297 = arith.muli %scan3A_70, %mul3A_296 : i32
      %get3A_298 = arith.constant 31 : i32
      %get3A_299 = arith.index_cast %get3A_298 : i32 to index
      %get3A_300 = arith.index_cast %mul3A_297 : i32 to index
      %get3A_301 = tpu.vector_load %arg5[%get3A_299, %get3A_300] {strides = array<i32>} : memref<32x1408xf32, #tpu.memory_space<vmem>>, vector<16xf32>,
      %add3A_302 = arith.addf %add3A_246, %get3A_301 : vector<16xf32>
      scf.yield %add3A_253, %add3A_260, %add3A_267, %add3A_274, %add3A_281, %add3A_288, %add3A_295, %add3A_302 : vector<16xf32>, vector<16xf32>, vector<16xf32>, vector<16xf32>, vector<16xf32>, vector<16xf32>, vector<16xf32>, vector<16xf32>
    }
    %scan3A_25 = arith.constant 88 : i32
    %ge3A = arith.constant 98560 : i32
    %ge3A_26 = vector.broadcast %ge3A : i32 to vector<16xi32>
    %ge3A_27 = arith.cmpi sge, %get3A_3, %ge3A_26 : vector<16xi32>
    %lt3A = arith.constant 99968 : i32
    %lt3A_28 = vector.broadcast %lt3A : i32 to vector<16xi32>
    %lt3A_29 = arith.cmpi slt, %get3A_3, %lt3A_28 : vector<16xi32>
    %and3A = arith.andi %ge3A_27, %lt3A_29 : vector<16xi1>
    %sub3A = arith.constant 98560 : i32
    %sub3A_30 = vector.broadcast %sub3A : i32 to vector<16xi32>
    %sub3A_31 = arith.subi %get3A_3, %sub3A_30 : vector<16xi32>
    %jit3A = arith.constant 0 : i32
    %broadcast_in_dim3A_32 = vector.broadcast %jit3A : i32 to vector<16xi32>
    %select_n3A = arith.select %and3A, %sub3A_31, %broadcast_in_dim3A_32 : vector<16xi1>, vector<16xi32>
    %gather3A = tpu.vector_load_idx %arg5[%iota3A, %select_n3A] masked %and3A : memref<32x1408xf32, #tpu.memory_space<vmem>>[vector<16xi32>, vector<16xi32>], vector<16xf32>, vector<16xi1>
    %jit3A_33 = arith.constant 0.000000e+00 : f32
    %broadcast_in_dim3A_34 = vector.broadcast %jit3A_33 : f32 to vector<16xf32>
    %select_n3A_35 = arith.select %and3A, %gather3A, %broadcast_in_dim3A_34 : vector<16xi1>, vector<16xf32>
    %add3A_36 = arith.addf %scan3A_15#8, %select_n3A_35 : vector<16xf32>
    %ge3A_37 = arith.constant 98560 : i32
    %ge3A_38 = vector.broadcast %ge3A_37 : i32 to vector<16xi32>
    %ge3A_39 = arith.cmpi sge, %get3A_5, %ge3A_38 : vector<16xi32>
    %lt3A_40 = arith.constant 99968 : i32
    %lt3A_41 = vector.broadcast %lt3A_40 : i32 to vector<16xi32>
    %lt3A_42 = arith.cmpi slt, %get3A_5, %lt3A_41 : vector<16xi32>
    %and3A_43 = arith.andi %ge3A_39, %lt3A_42 : vector<16xi1>
    %sub3A_44 = arith.constant 98560 : i32
    %sub3A_45 = vector.broadcast %sub3A_44 : i32 to vector<16xi32>
    %sub3A_46 = arith.subi %get3A_5, %sub3A_45 : vector<16xi32>
    %jit3A_47 = arith.constant 0 : i32
    %broadcast_in_dim3A_48 = vector.broadcast %jit3A_47 : i32 to vector<16xi32>
    %select_n3A_49 = arith.select %and3A_43, %sub3A_46, %broadcast_in_dim3A_48 : vector<16xi1>, vector<16xi32>
    %gather3A_50 = tpu.vector_load_idx %arg5[%add3A_8, %select_n3A_49] masked %and3A_43 : memref<32x1408xf32, #tpu.memory_space<vmem>>[vector<16xi32>, vector<16xi32>], vector<16xf32>, vector<16xi1>
    %jit3A_51 = arith.constant 0.000000e+00 : f32
    %broadcast_in_dim3A_52 = vector.broadcast %jit3A_51 : f32 to vector<16xf32>
    %select_n3A_53 = arith.select %and3A_43, %gather3A_50, %broadcast_in_dim3A_52 : vector<16xi1>, vector<16xf32>
    %add3A_54 = arith.addf %add3A_36, %select_n3A_53 : vector<16xf32>
    %add3A_55 = arith.addf %scan3A_24#0, %scan3A_24#1 : vector<16xf32>
    %add3A_56 = arith.addf %add3A_55, %scan3A_24#2 : vector<16xf32>
    %add3A_57 = arith.addf %add3A_56, %scan3A_24#3 : vector<16xf32>
    %add3A_58 = arith.addf %add3A_57, %scan3A_24#4 : vector<16xf32>
    %add3A_59 = arith.addf %add3A_58, %scan3A_24#5 : vector<16xf32>
    %add3A_60 = arith.addf %add3A_59, %scan3A_24#6 : vector<16xf32>
    %add3A_61 = arith.addf %add3A_60, %scan3A_24#7 : vector<16xf32>
    %mul3A_62 = arith.constant 1.000010e-06 : f32
    %mul3A_63 = vector.broadcast %mul3A_62 : f32 to vector<16xf32>
    %mul3A_64 = arith.mulf %mul3A_63, %add3A_61 : vector<16xf32>
    %mul3A_65 = arith.constant 8.999990e-01 : f32
    %mul3A_66 = vector.broadcast %mul3A_65 : f32 to vector<16xf32>
    %mul3A_67 = arith.mulf %mul3A_66, %add3A_54 : vector<16xf32>
    %add3A_68 = arith.addf %mul3A_64, %mul3A_67 : vector<16xf32>
    %swap3A = arith.constant 0 : index
    %swap3A_69 = tpu.vector_load %arg8[%swap3A] {strides = array<i32>} : memref<16xf32, #tpu.memory_space<vmem>>, vector<16xf32>,
    tpu.vector_store %arg8[%swap3A], %add3A_68 {strides = array<i32>} : memref<16xf32, #tpu.memory_space<vmem>>, vector<16xf32>,
    "tpu.region"() ({
      %run_scoped3A = tpu.sem_alloc : memref<!tpu.dma_semaphore, #tpu.memory_space<semaphore_mem>>
      %dma_start3A_70 = arith.constant 0 : i32
      %dma_start3A_71 = tpu.memref_slice %arg4[%add3A, %dma_start3A_70] : memref<32x16xf32, #tpu.memory_space<hbm>> -> memref<1x16xf32, #tpu.memory_space<hbm>>
      %dma_start3A_72 = tpu.memref_squeeze %dma_start3A_71 : memref<1x16xf32, #tpu.memory_space<hbm>> -> memref<16xf32, #tpu.memory_space<hbm>>
      %dma_start3A_73 = arith.constant 0 : i32
      %dma_start3A_74 = tpu.memref_slice %arg4[%add3A, %dma_start3A_73] : memref<32x16xf32, #tpu.memory_space<hbm>> -> memref<1x16xf32, #tpu.memory_space<hbm>>
      %dma_start3A_75 = tpu.memref_squeeze %dma_start3A_74 : memref<1x16xf32, #tpu.memory_space<hbm>> -> memref<16xf32, #tpu.memory_space<hbm>>
      tpu.enqueue_dma source(%arg8 : memref<16xf32, #tpu.memory_space<vmem>>) target(%dma_start3A_75 : memref<16xf32, #tpu.memory_space<hbm>>) target_semaphore(%run_scoped3A : memref<!tpu.dma_semaphore, #tpu.memory_space<semaphore_mem>>)
      %dma_wait3A_76 = arith.constant 0 : i32
      %dma_wait3A_77 = tpu.memref_slice %arg4[%add3A, %dma_wait3A_76] : memref<32x16xf32, #tpu.memory_space<hbm>> -> memref<1x16xf32, #tpu.memory_space<hbm>>
      %dma_wait3A_78 = tpu.memref_squeeze %dma_wait3A_77 : memref<1x16xf32, #tpu.memory_space<hbm>> -> memref<16xf32, #tpu.memory_space<hbm>>
      %dma_wait3A_79 = arith.constant 0 : i32
      %dma_wait3A_80 = tpu.memref_slice %arg4[%add3A, %dma_wait3A_79] : memref<32x16xf32, #tpu.memory_space<hbm>> -> memref<1x16xf32, #tpu.memory_space<hbm>>
      %dma_wait3A_81 = tpu.memref_squeeze %dma_wait3A_80 : memref<1x16xf32, #tpu.memory_space<hbm>> -> memref<16xf32, #tpu.memory_space<hbm>>
      tpu.wait_dma2 semaphore(%run_scoped3A : memref<!tpu.dma_semaphore, #tpu.memory_space<semaphore_mem>>) src(%arg8 : memref<16xf32, #tpu.memory_space<vmem>>) dst(%dma_wait3A_81 : memref<16xf32, #tpu.memory_space<hbm>>)
      tpu.yield
    }) : () -> ()
    return
  }
}

module attributes {stable_mosaic.version = 14 : i64} {
  func.func @body(%arg0: i32, %arg1: memref<32x16xf32, #tpu.memory_space<vmem>>, %arg2: memref<1024x128xf32, #tpu.memory_space<vmem>>, %arg3: memref<1024x1xi32, #tpu.memory_space<vmem>>, %arg4: memref<1xf32, #tpu.memory_space<smem>>) attributes {dimension_semantics = [#tpu.dimension_semantics<arbitrary>], iteration_bounds = array<i64: 1>, scalar_prefetch = 0 : i64, scratch_operands = 0 : i64, tpu.core_type = #tpu.core_type<tc>, window_params = [{pipeline_mode = #tpu.pipeline_mode<synchronous>, transform_indices = @transform_0, window_bounds = array<i64: 32, 16>}, {transform_indices = @transform_1, window_bounds = array<i64: 1024, 128>}, {pipeline_mode = #tpu.pipeline_mode<synchronous>, transform_indices = @transform_2, window_bounds = array<i64: 1024, 1>}, {transform_indices = @transform_3, window_bounds = array<i64: 1>}]} {
    %get3A = arith.constant 0 : index
    %get3A_0 = arith.constant 0 : index
    %get3A_1 = vector.load %arg2[%get3A, %get3A_0] : memref<1024x128xf32, #tpu.memory_space<vmem>>, vector<1024x128xf32>
    %iota3A = tpu.iota {dimensions = array<i32: 1>} : vector<1024x128xi32>
    %add3A = arith.constant 99968 : i32
    %add3A_2 = vector.broadcast %add3A : i32 to vector<1024x128xi32>
    %add3A_3 = arith.addi %add3A_2, %iota3A : vector<1024x128xi32>
    %lt3A = arith.constant 32 : i32
    %lt3A_4 = vector.broadcast %lt3A : i32 to vector<1024x128xi32>
    %lt3A_5 = arith.cmpi slt, %iota3A, %lt3A_4 : vector<1024x128xi32>
    %jit3A = arith.constant 0.000000e+00 : f32
    %broadcast_in_dim3A = vector.broadcast %jit3A : f32 to vector<1024x128xf32>
    %select_n3A = arith.select %lt3A_5, %get3A_1, %broadcast_in_dim3A : vector<1024x128xi1>, vector<1024x128xf32>
    %reduce_sum3A = vector.shape_cast %select_n3A : vector<1024x128xf32> to vector<1x1024x128xf32>
    %reduce_sum3A_6 = arith.constant dense<0.000000e+00> : vector<1xf32>
    %reduce_sum3A_7 = vector.multi_reduction <add>, %reduce_sum3A, %reduce_sum3A_6 [1, 2] : vector<1x1024x128xf32> to vector<1xf32>
    %reduce_sum3A_8 = vector.shape_cast %reduce_sum3A_7 : vector<1xf32> to vector<1x1x1xf32>
    %reduce_sum3A_9 = vector.extract %reduce_sum3A_8[0, 0, 0] : f32 from vector<1x1x1xf32>
    %get3A_10 = arith.constant 0 : index
    %get3A_11 = arith.constant 0 : index
    %get3A_12 = vector.load %arg3[%get3A_10, %get3A_11] : memref<1024x1xi32, #tpu.memory_space<vmem>>, vector<1024x1xi32>
    %eq3A = vector.broadcast %get3A_12 : vector<1024x1xi32> to vector<1024x128xi32>
    %eq3A_13 = arith.cmpi eq, %add3A_3, %eq3A : vector<1024x128xi32>
    %jit3A_14 = arith.constant 0.000000e+00 : f32
    %broadcast_in_dim3A_15 = vector.broadcast %jit3A_14 : f32 to vector<1024x128xf32>
    %select_n3A_16 = arith.select %eq3A_13, %get3A_1, %broadcast_in_dim3A_15 : vector<1024x128xi1>, vector<1024x128xf32>
    %reduce_sum3A_17 = vector.shape_cast %select_n3A_16 : vector<1024x128xf32> to vector<1x1024x128xf32>
    %reduce_sum3A_18 = arith.constant dense<0.000000e+00> : vector<1xf32>
    %reduce_sum3A_19 = vector.multi_reduction <add>, %reduce_sum3A_17, %reduce_sum3A_18 [1, 2] : vector<1x1024x128xf32> to vector<1xf32>
    %reduce_sum3A_20 = vector.shape_cast %reduce_sum3A_19 : vector<1xf32> to vector<1x1x1xf32>
    %reduce_sum3A_21 = vector.extract %reduce_sum3A_20[0, 0, 0] : f32 from vector<1x1x1xf32>
    %get3A_22 = arith.constant 0 : index
    %get3A_23 = arith.constant 0 : index
    %get3A_24 = vector.load %arg1[%get3A_22, %get3A_23] : memref<32x16xf32, #tpu.memory_space<vmem>>, vector<32x16xf32>
    %reduce_sum3A_25 = vector.shape_cast %get3A_24 : vector<32x16xf32> to vector<1x32x16xf32>
    %reduce_sum3A_26 = arith.constant dense<0.000000e+00> : vector<1xf32>
    %reduce_sum3A_27 = vector.multi_reduction <add>, %reduce_sum3A_25, %reduce_sum3A_26 [1, 2] : vector<1x32x16xf32> to vector<1xf32>
    %reduce_sum3A_28 = vector.shape_cast %reduce_sum3A_27 : vector<1xf32> to vector<1x1x1xf32>
    %reduce_sum3A_29 = vector.extract %reduce_sum3A_28[0, 0, 0] : f32 from vector<1x1x1xf32>
    %sub3A = arith.constant -1511.8075 : f32
    %sub3A_30 = arith.subf %sub3A, %reduce_sum3A_29 : f32
    %mul3A = arith.constant 1.000010e-06 : f32
    %mul3A_31 = arith.mulf %mul3A, %reduce_sum3A_9 : f32
    %sub3A_32 = arith.subf %sub3A_30, %mul3A_31 : f32
    %mul3A_33 = arith.constant 8.999990e-01 : f32
    %mul3A_34 = arith.mulf %mul3A_33, %reduce_sum3A_21 : f32
    %sub3A_35 = arith.subf %sub3A_32, %mul3A_34 : f32
    %swap3A = arith.constant 0 : index
    %swap3A_36 = memref.load %arg4[%swap3A] : memref<1xf32, #tpu.memory_space<smem>>
    memref.store %sub3A_35, %arg4[%swap3A] : memref<1xf32, #tpu.memory_space<smem>>
    return
  }
  func.func @transform_0(%arg0: i32) -> (i32, i32) {
    %c0_i32 = arith.constant 0 : i32
    %c0_i32_0 = arith.constant 0 : i32
    %c0_i32_1 = arith.constant 0 : i32
    return %c0_i32, %c0_i32_0 : i32, i32
  }
  func.func @transform_1(%arg0: i32) -> (i32, i32) {
    %c0_i32 = arith.constant 0 : i32
    %c781_i32 = arith.constant 781 : i32
    %c0_i32_0 = arith.constant 0 : i32
    return %c0_i32, %c781_i32 : i32, i32
  }
  func.func @transform_2(%arg0: i32) -> (i32, i32) {
    %c0_i32 = arith.constant 0 : i32
    %c0_i32_0 = arith.constant 0 : i32
    %c0_i32_1 = arith.constant 0 : i32
    return %c0_i32, %c0_i32_0 : i32, i32
  }
  func.func @transform_3(%arg0: i32) -> i32 {
    %c0_i32 = arith.constant 0 : i32
    %c0_i32_0 = arith.constant 0 : i32
    return %c0_i32 : i32
  }
}

</mosaic_0001>

<sc_bundles>
// kernel: kernel.4.cloned.1.call-start
scs
__scs_entry_jumppad:
0x0: {  	(pc) =	sbr.rel $0x88, $3  }
0x1: {  	(tag) =	ssettag $0x0;
	lr =	simm.s32 $0x1  }
0x2: {  	[smem:$0x3F9F] =	sst lr;
	_ =	strace $0xD0000000  }
0x3: {  	_ = 	snop  }
0x4: {  	_ = 	snop  }
0x5: {  	_ = 	snop  }
0x6: {  	_ = 	snop  }
0x7: {  	_ = 	snop  }
__scs_overlays_trampoline_lowered:
0x8: {  	[smem:$0x3FAE] =	sst s0  }
0x9: {  	[smem:$0x3FAF] =	sst s1  }
0xa: {  	[smem:$0x3FB0] =	sst s2  }
0xb: {  	[smem:$0x3FB1] =	sst s3  }
0xc: {  	[smem:$0x3FB2] =	sst s4  }
0xd: {  	[smem:$0x3FB3] =	sst s5  }
0xe: {  	[smem:$0x3FB4] =	sst s6  }
0xf: {  	[smem:$0x3FB5] =	sst s7  }
0x10: {  	[smem:$0x3FB6] =	sst s8  }
0x11: {  	[smem:$0x3FB7] =	sst s9;
	s0 =	simm.s32 @!p0 $0x0  }
0x12: {  	s1 =	sld [smem:$0x3F9D];
	s0 =	simm.s32 @p0 $0x1  }
0x13: {  	[smem:$0x3FB8] =	sst s0;
	s0 =	simm.s32 @!p1 $0x0  }
0x14: {  	s2 =	sld [smem:$0x3F9C];
	s0 =	simm.s32 @p1 $0x1  }
0x15: {  	[smem:$0x3FB9] =	sst s0;
	s0 =	simm.s32 @!p2 $0x0  }
0x16: {  	s3 =	sld [smem:$0x3FDB];
	s0 =	simm.s32 @p2 $0x1  }
0x17: {  	s4 =	simm.s32 $0x1BF5;
	[smem:$0x3FBB] =	sst s0  }
0x18: {  	s0 =	sld [smem:$0x3F9E];
	_ =	swait.ge [sflag:s4], $0x0  }
0x19: {  	s7 =	sld [smem:$0x3F9F]  }
0x1a: {  	s8 =	sadd.s32 $0xFFFFE003, lr  }
0x1b: {  	s9 =	sadd.s32 $0xFFFFFEF7, lr;
	s5 =	simm.s32 $0xFFFFFFFF;
	p2 =	slt.u32 s8, $0xFFFFF086  }
0x1c: {  	p1 =	slt.u32 s9, $0xF7A;
	s5 =	simm.s32 @!p2 $0x0  }
0x1d: {  	s5 =	simm.s32 @p1 $0x1;
	p0 =	seq.s32 s7, s2  }
0x1e: {  	s7 =	smul.u32 @!p0 $0xF7A, s2;
	p2 =	seq.s32 @!p0 s5, $0x0  }
0x1f: {  	s9 =	smul.u32 $0xF7A, s1;
	s8 =	simm.s32 @!p0 $0x1BF5;
	p2 =	por !p2, p0  }
0x20: {  	[sflag:s8] =	ssyncset.s32 @!p0 $0xFFFFF086;
	s6 =	sadd.s32 @!p0 s3, s7;
	s7 =	simm.s32 @!p0 $0x108  }
0x21: {  	s3 =	sadd.s32 s3, s9;
	s6 =	sadd.s32 @!p0 $0x88, s6;
	s7 =	simm.s32 @p2 $0x1082  }
0x22: {  	[simem:s7], [sflag:s8] =	dma.local @!p0 [hbm:s6], $0xF7A  }
0x23: {  	s9 =	sor.u32 $0xD0000000, s2;
	s6 =	simm.s32 $0x108;
	_ =	swait.ge @!p0 [sflag:s8], $0x0  }
0x24: {  	s3 =	sadd.s32 $0x88, s3;
	s6 =	simm.s32 @!p1 $0x1082;
	[sflag:s4] =	ssyncset.s32 $0xFFFFF086  }
0x25: {  	[simem:s6], [sflag:s4] =	dma.local [hbm:s3], $0xF7A  }
0x26: {  	[smem:$0x3F9F] =	sst s1;
	(tag) =	ssettag s2;
	_ =	strace s9  }
0x27: {  	s1 =	sld [smem:$0x3FAF]  }
0x28: {  	s2 =	sld [smem:$0x3FB0]  }
0x29: {  	s4 =	sld [smem:$0x3FB2]  }
0x2a: {  	p0 =	seq.s32 s5, $0x0;
	s5 =	sld [smem:$0x3FB3]  }
0x2b: {  	s6 =	sld [smem:$0x3FB4]  }
0x2c: {  	s7 =	sld [smem:$0x3FB5]  }
0x2d: {  	s3 =	simm.s32 $0x108;
	s8 =	sld [smem:$0x3FB6]  }
0x2e: {  	s3 =	simm.s32 @!p0 $0x1082;
	s9 =	sld [smem:$0x3FB7]  }
0x2f: {  	lr =	sadd.s32 s0, s3;
	s0 =	sld [smem:$0x3FAE]  }
0x30: {  	s3 =	sld [smem:$0x3FB1]  }
0x31: {  	[smem:$0x3FBA] =	sst s10  }
0x32: {  	s10 =	sld [smem:$0x3FB8];
	_ =	sdelay $0x3  }
0x33: {  	p0 =	seq.s32 s10, $0x1;
	s10 =	sld [smem:$0x3FBA];
	_ =	sdelay $0x3  }
0x34: {  	[smem:$0x3FBA] =	sst s10  }
0x35: {  	s10 =	sld [smem:$0x3FB9];
	_ =	sdelay $0x3  }
0x36: {  	p1 =	seq.s32 s10, $0x1;
	s10 =	sld [smem:$0x3FBA];
	_ =	sdelay $0x3  }
0x37: {  	[smem:$0x3FBA] =	sst s10  }
0x38: {  	s10 =	sld [smem:$0x3FBB]  }
0x39: {  	_ = 	snop;
	(pc) =	sbr.ind lr, $3  }
0x3a: {  	_ = 	snop  }
0x3b: {  	_ = 	snop  }
0x3c: {  	p2 =	seq.s32 s10, $0x1;
	s10 =	sld [smem:$0x3FBA]  }
0x3d: {  	_ =	shalt  }
0x3e: {  	_ =	shalt  }
0x3f: {  	_ =	shalt  }
0x40: {  	_ =	shalt  }
0x41: {  	_ =	shalt  }
0x42: {  	_ =	shalt  }
0x43: {  	_ =	shalt  }
0x44: {  	_ =	shalt  }
0x45: {  	_ =	shalt  }
0x46: {  	_ =	shalt  }
0x47: {  	_ =	shalt  }
0x48: {  	_ =	shalt  }
0x49: {  	_ =	shalt  }
0x4a: {  	_ =	shalt  }
0x4b: {  	_ =	shalt  }
0x4c: {  	_ =	shalt  }
0x4d: {  	_ =	shalt  }
0x4e: {  	_ =	shalt  }
0x4f: {  	_ =	shalt  }
0x50: {  	_ =	shalt  }
0x51: {  	_ =	shalt  }
0x52: {  	_ =	shalt  }
0x53: {  	_ =	shalt  }
0x54: {  	_ =	shalt  }
0x55: {  	_ =	shalt  }
0x56: {  	_ =	shalt  }
0x57: {  	_ =	shalt  }
0x58: {  	_ =	shalt  }
0x59: {  	_ =	shalt  }
0x5a: {  	_ =	shalt  }
0x5b: {  	_ =	shalt  }
0x5c: {  	_ =	shalt  }
0x5d: {  	_ =	shalt  }
0x5e: {  	_ =	shalt  }
0x5f: {  	_ =	shalt  }
0x60: {  	_ =	shalt  }
0x61: {  	_ =	shalt  }
0x62: {  	_ =	shalt  }
0x63: {  	_ =	shalt  }
0x64: {  	_ =	shalt  }
0x65: {  	_ =	shalt  }
0x66: {  	_ =	shalt  }
0x67: {  	_ =	shalt  }
0x68: {  	_ =	shalt  }
0x69: {  	_ =	shalt  }
0x6a: {  	_ =	shalt  }
0x6b: {  	_ =	shalt  }
0x6c: {  	_ =	shalt  }
0x6d: {  	_ =	shalt  }
0x6e: {  	_ =	shalt  }
0x6f: {  	_ =	shalt  }
0x70: {  	_ =	shalt  }
0x71: {  	_ =	shalt  }
0x72: {  	_ =	shalt  }
0x73: {  	_ =	shalt  }
0x74: {  	_ =	shalt  }
0x75: {  	_ =	shalt  }
0x76: {  	_ =	shalt  }
0x77: {  	_ =	shalt  }
0x78: {  	_ =	shalt  }
0x79: {  	_ =	shalt  }
0x7a: {  	_ =	shalt  }
0x7b: {  	_ =	shalt  }
0x7c: {  	_ =	shalt  }
0x7d: {  	_ =	shalt  }
0x7e: {  	_ =	shalt  }
0x7f: {  	_ =	shalt  }
0x80: {  	_ =	shalt  }
0x81: {  	_ =	shalt  }
0x82: {  	_ =	shalt  }
0x83: {  	_ =	shalt  }
0x84: {  	_ =	shalt  }
0x85: {  	_ =	shalt  }
0x86: {  	_ =	shalt  }
0x87: {  	_ =	shalt  }
.Lfunc_end0:
.L_simem_size_0:
called_computation_lowered:
.L_overlay_start_0:
0x88: {  	s2 =	sld [smem:$0x3FD9]  }
0x89: {  	s3 =	sld [smem:$0x3FFE];
	_ =	sdelay $0x1  }
0x8a: {  	s1 =	srdreg.scid  }
0x8b: {  	s0 =	sand.u32 $0x1, s1  }
0x8c: {  	s17 =	sshll.u32 s0, $0xA;
	s2 =	sadd.s32 s3, s2  }
0x8d: {  	s2 =	sadd.s32 s2, s17  }
0x8e: {  	[smem:$0x3FC6] =	sst s2  }
0x8f: {  	_ = 	snop  }
0x90: {  	s2 =	sld [smem:$0x3FC8];
	(tm) =	ssettm $0x1  }
0x91: {  	s18 =	sld [smem:$0x3FFB];
	_ =	sdelay $0x3  }
0x92: {  	_ =	strace s18  }
0x93: {  	s3 =	sld [smem:$0x3FFC];
	_ =	sdelay $0x3  }
0x94: {  	_ =	strace s3  }
0x95: {  	s3 =	sld [smem:$0x3FFD];
	_ =	sdelay $0x3  }
0x96: {  	_ =	strace s3  }
0x97: {  	_ =	strace $0x8FFFFFFF  }
0x98: {  	s19 =	sld [smem:$0x3FDB];
	_ =	sdelay $0x1  }
0x99: {  	s4 =	simm.s32 $_scs_section_size  }
0x9a: {  	s5 =	simm.s32 $_size__tile_overlayer_lowered;
	s6 =	simm.s32 $_tile_overlayer_lowered  }
0x9b: {  	s22 =	simm.s32 $0x1BFF;
	s21 =	sshll.u32 s6, $0x1;
	s3 =	sadd.s32 s4, s19  }
0x9c: {  	s7 =	simm.s32 $0x0;
	s20 =	sshll.u32 s5, $0x1;
	s5 =	sadd.s32 s21, s3  }
0x9d: {  	[timem:s7], [sflag:s22] =	dma.local [hbm:s5], s20  }
0x9e: {  	_ =	swait.ge [sflag:s22], s20  }
0x9f: {  	s4 =	ssub.s32 $0x0, s20;
	[sflag:s22] =	ssyncset.done $0x0  }
0xa0: {  	[sflag:s22] =	ssyncadd.s32 s4;
	_ =	sdelay $0x1  }
0xa1: {  	s23 =	simm.s32 $0x1B8B  }
0xa2: {  	_ =	swait.ge [sflag:s23], $0x1  }
0xa3: {  	[sflag:s23] =	ssyncset.done $0x0  }
0xa4: {  	s25 =	simm.s32 $0x1B8E;
	s24 =	sld [smem:$0x3FFE];
	[sflag:s23] =	ssyncadd.s32 $0xFFFFFFFF  }
0xa5: {  	s26 =	simm.s32 $execute0_lowered;
	[smem:$0x3FD2] =	sst s25  }
0xa6: {  	s5 =	sshll.u32 s26, $0x1;
	_ =	strace $0x80000046;
	[dreg:$0x1] =	wrdreg $0xFFFFFFFF  }
0xa7: {  	s28 =	simm.s32 $_size_execute0_lowered;
	s3 =	sadd.s32 s3, s5;
	[dreg:$0x0] =	wrdreg $0x0  }
0xa8: {  	s5 =	sshll.u32 s28, $0x1;
	[dreg:$0x2] =	wrdreg s3  }
0xa9: {  	[dreg:$0x3] =	wrdreg s5  }
0xaa: {  	[dreg:$0x4] =	wrdreg $0xC0  }
0xab: {  	_ =	task [dreg:s7], $0x5FFFF  }
0xac: {  	[dreg:$0x1] =	wrdreg $0xFFFFFFFF  }
0xad: {  	[dreg:$0x0] =	wrdreg $0x60  }
0xae: {  	[dreg:$0x2] =	wrdreg s24  }
0xaf: {  	[dreg:$0x3] =	wrdreg s2  }
0xb0: {  	[dreg:$0x4] =	wrdreg $0x9  }
0xb1: {  	_ =	task.clear_ibuf [dreg:s7], $0x5FFFF;
	_ =	strace $0x90000046  }
0xb2: {  	s29 =	simm.s32 $0x9;
	_ =	strace $0x80000048  }
0xb3: {  	_ =	swait.ge [sflag:s29], $0x1  }
0xb4: {  	[sflag:s29] =	ssyncadd.s32 $0xFFFFFFFF  }
0xb5: {  	_ =	strace $0x90000048  }
0xb6: {  	_ =	sfence  }
0xb7: {  	s30 =	sld [smem:$0x0];
	_ =	sdelay $0x2  }
0xb8: {  	s31 =	sshll.u32 s1, $0xD;
	s1 =	sshrl.u32 s1, $0x2  }
0xb9: {  	s3 =	sand.u32 $0x4000, s31;
	s1 =	sadd.s32 s1, s30  }
0xba: {  	s0 =	sor.u32 s3, s0;
	s1 =	sshll.u32 s1, $0x11  }
0xbb: {  	s0 =	sor.u32 s1, s0  }
0xbc: {  	s0 =	sadd.s32 $0x8F2B, s0  }
0xbd: {  	[sflag:s0] =	ssyncadd.remote.s32 $0x1  }
0xbe: {  	_ =	sfence.sel $0xFFFF  }
0xbf: {  	[dreg:$0x0] =	wrdreg $0xFFFFFFFF;
	(pc) =	sbr.abs _section_cstart, $3  }
0xc0: {  	[dreg:$0x1] =	wrdreg $0xFFFFFFFF  }
0xc1: {  	_ =	task.clear_ibuf [dreg:s7], $0x2FFFF;
	_ =	strace $0x9FFFFFFF  }
0xc2: {  	(tm) =	ssettm $0x7FFFFFFF  }
0xc3: {  	_ =	shalt  }
tec
execute0_lowered:
.L_overlay_start_1:
0x0: {  	(tag) =	ssettag $0x1  }
0x1: {  	v0 =	vimm.s32 $0x2F80;
	vm0 =	vcmask $0x300;
	v1 =	vimm.s32 $0x8780  }
0x2: {  	vm1 =	vcmask $0x704;
	v0 =	vsel vm0, $0x0, v0;
	v1 =	vsel vm0, $0x5800, v1  }
0x3: {  	vm15 =	vcmask $0xB08;
	v0 =	vsel vm1, $0x80, v0;
	v1 =	vsel vm1, $0x5880, v1  }
0x4: {  	vm4 =	vcmask $0xF0C;
	v0 =	vsel vm15, $0x100, v0;
	v1 =	vsel vm15, $0x5900, v1  }
0x5: {  	vm5 =	vcmask $0x1310;
	v0 =	vsel vm4, $0x180, v0;
	v1 =	vsel vm4, $0x5980, v1  }
0x6: {  	s1 =	srdreg.scid;
	s3 =	rddreg [dreg:$0x0];
	vm6 =	vcmask $0x1714;
	v0 =	vsel vm5, $0x200, v0;
	v1 =	vsel vm5, $0x5A00, v1  }
0x7: {  	s0 =	stileid.u32;
	s5 =	rddreg [dreg:$0x1];
	vm7 =	vcmask $0x1B18;
	s2 =	simm.s32 $0x0;
	v0 =	vsel vm6, $0x280, v0;
	v1 =	vsel vm6, $0x5A80, v1  }
0x8: {  	vm8 =	vcmask $0x1F1C;
	s10 =	simm.s32 $0xC3800;
	s11 =	simm.s32 $0x1;
	s12 =	simm.s32 $0xB000;
	v0 =	vsel vm7, $0x300, v0;
	v1 =	vsel vm7, $0x5B00, v1  }
0x9: {  	vm9 =	vcmask $0x2320;
	s13 =	simm.s32 $0x2;
	s14 =	simm.s32 $0x16080;
	s15 =	simm.s32 $0x0;
	v0 =	vsel vm8, $0x380, v0;
	v1 =	vsel vm8, $0x5B80, v1  }
0xa: {  	vm10 =	vcmask $0x2724;
	s4 =	sand.u32 $0x1, s1;
	s31 =	sshll.u32 s0, $0x1;
	[smem:$0x7FF] =	sst s2;
	v0 =	vsel vm9, $0x2C00, v0;
	v1 =	vsel vm9, $0x8400, v1  }
0xb: {  	vm11 =	vcmask $0x2B28;
	s1 =	rddreg [dreg:$0x2];
	s6 =	sor.u32 s4, s31;
	_ =	strace $0x80000047;
	v0 =	vsel vm10, $0x2C80, v0;
	v1 =	vsel vm10, $0x8480, v1  }
0xc: {  	vm12 =	vcmask $0x2F2C;
	s4 =	ssub.s32 $0x2, s4;
	s7 =	smul.u32 $0x61C00, s6;
	s8 =	sshll.u32 s6, $0x4;
	v0 =	vsel vm11, $0x2D00, v0;
	v1 =	vsel vm11, $0x8500, v1  }
0xd: {  	vm13 =	vcmask $0x3330;
	s9 =	sshrl.u32 s4, $0x1;
	s6 =	sshll.u32 s6, $0x2;
	s8 =	sadd.s32 s8, s3;
	v0 =	vsel vm12, $0x2D80, v0;
	v1 =	vsel vm12, $0x8580, v1  }
0xe: {  	vm14 =	vcmask $0x3734;
	s9 =	ssub.s32 s4, s9;
	s7 =	sadd.s32 s7, s3;
	s3 =	sadd.s32 s5, s6;
	v0 =	vsel vm13, $0x2E00, v0;
	v1 =	vsel vm13, $0x8600, v1  }
0xf: {  	vm15 =	vcmask $0x3B38;
	s5 =	sadd.s32 $0xC38800, s8;
	s6 =	smax.u32 s9, $0x1;
	s8 =	simm.s32 $0x3;
	v0 =	vsel vm14, $0x2E80, v0;
	v1 =	vsel vm14, $0x8680, v1  }
0x10: {  	s9 =	simm.s32 $0x2C00;
	s4 =	sadd.s32 $0x800, s7;
	s7 =	simm.s32 $0x16000;
	v0 =	vsel vm15, $0x2F00, v0;
	v1 =	vsel vm15, $0x8700, v1  }
.LBB2_1:
0x11: {  	[tilespmem:s7], [sflag:$0x3] =	stream.linear.gather [hbm4b:s3+s2], $0x20, $0x38;
	[tilespmem:$0x16100] =	vst v63  }
0x12: {  	_ =	swait.ge [sflag:s8], $0x20  }
0x13: {  	[sflag:s8] =	ssyncset.done $0x0  }
0x14: {  	v5 =	vimm.f32 $0.0e+00;
	v2 =	vimm.f32 $0.0e+00;
	v6 =	vimm.f32 $0.0e+00;
	[sflag:s8] =	ssyncadd.s32 $0xFFFFFFE0  }
0x15: {  	v7 =	vimm.f32 $0.0e+00;
	v8 =	vimm.f32 $0.0e+00;
	v9 =	vimm.f32 $0.0e+00;
	s16 =	simm.s32 $0x0;
	v4 =	vld [tilespmem:$0x16000]  }
0x16: {  	v10 =	vimm.f32 $0.0e+00;
	v19 =	vimm.f32 $0.0e+00;
	v32 =	vimm.f32 $0.0e+00;
	v3 =	vld [tilespmem:$0x16010];
	[tilespmem:s2], [sflag:$0x1] =	stream.strided.gather [hbm4b:s4+s9], $0xB000, s10, s9, $0x38  }
.LBB2_2:
0x17: {  	s18 =	smul.u32 $0xB00, s16  }
0x18: {  	_ =	swait.ge [sflag:s11], $0xB000;
	s20 =	simm.s32 $0x0  }
0x19: {  	[sflag:s11] =	ssyncset.done $0x0;
	s31 =	sand.u32 $0x70, s20;
	s17 =	sadd.s32 $0x580, s18  }
0x1a: {  	s21 =	sand.u32 $0x3C00, s20;
	[sflag:s11] =	ssyncadd.s32 $0xFFFF5000;
	s19 =	sadd.s32 s17, s4  }
0x1b: {  	[tilespmem:s12], [sflag:$0x2] =	stream.strided.gather [hbm4b:s19+s9], $0xB000, s10, s9, $0x38;
	[tilespmem:$0x16100] =	vst v63  }
0x1c: {  	s19 =	sor.u32 s31, s21  }
0x1d: {  	v21 =	vld [tilespmem:s19+$0x8400]  }
0x1e: {  	v24 =	vld [tilespmem:s19+$0x8480]  }
0x1f: {  	v25 =	vld [tilespmem:s19+$0x8500]  }
0x20: {  	v27 =	vld [tilespmem:s19+$0x8580]  }
0x21: {  	v15 =	vld [tilespmem:s19+$0x8600]  }
0x22: {  	v16 =	vld [tilespmem:s19+$0x8680]  }
0x23: {  	v29 =	vld [tilespmem:s19+$0x5800]  }
0x24: {  	v31 =	vld [tilespmem:s19+$0x5880]  }
0x25: {  	v20 =	vld [tilespmem:s19+$0x5900]  }
0x26: {  	v30 =	vld [tilespmem:s19+$0x5980]  }
0x27: {  	v17 =	vld [tilespmem:s19+$0x5A00]  }
0x28: {  	v18 =	vld [tilespmem:s19+$0x5A80]  }
0x29: {  	v33 =	vld [tilespmem:s19+$0x2C00]  }
0x2a: {  	v35 =	vld [tilespmem:s19+$0x2C80]  }
0x2b: {  	v11 =	vld [tilespmem:s19+$0x0]  }
0x2c: {  	v12 =	vld [tilespmem:s19+$0x80]  }
0x2d: {  	v34 =	vld [tilespmem:s19+$0x100]  }
0x2e: {  	v38 =	vld [tilespmem:s19+$0x180]  }
0x2f: {  	v36 =	vld [tilespmem:s19+$0x2D00]  }
0x30: {  	v37 =	vld [tilespmem:s19+$0x2D80]  }
0x31: {  	v28 =	vld [tilespmem:s19+$0x2E00]  }
0x32: {  	s22 =	simm.s32 $0x0;
	s23 =	sand.u32 $0x7, s20;
	s21 =	simm.s32 $0x10;
	v39 =	vadd.f32 v11, v32;
	v40 =	vadd.f32 v12, v19;
	v32 =	vld [tilespmem:s19+$0x2E80]  }
.LBB2_3:
0x33: {  	p0 =	sne.s32 s21, $0x570;
	s23 =	sshll.u32 s23, $0x4;
	v10 =	vadd.f32 v34, v10;
	v9 =	vadd.f32 v38, v9;
	v11 =	vld [tilespmem:s19+$0x200]  }
0x34: {  	s23 =	sadd.s32 s23, s20;
	v12 =	vld [tilespmem:s19+$0x280];
	v13 =	vadd.f32 v33, v39;
	v14 =	vadd.f32 v35, v40  }
0x35: {  	v19 =	vld [tilespmem:s19+$0x300];
	s23 =	sor.u32 $0x380, s23;
	v10 =	vadd.f32 v36, v10;
	v9 =	vadd.f32 v37, v9  }
0x36: {  	v22 =	vld [tilespmem:s23+$0x0];
	v13 =	vadd.f32 v29, v13;
	v14 =	vadd.f32 v31, v14  }
0x37: {  	v23 =	vld [tilespmem:s19+$0x2F00];
	v10 =	vadd.f32 v20, v10;
	v9 =	vadd.f32 v30, v9  }
0x38: {  	v20 =	vld [tilespmem:s19+$0x2F80];
	v13 =	vadd.f32 v21, v13;
	v14 =	vadd.f32 v24, v14  }
0x39: {  	v26 =	vld [tilespmem:s19+$0x5B00];
	v10 =	vadd.f32 v25, v10;
	v9 =	vadd.f32 v27, v9  }
0x3a: {  	s20 =	sadd.s32 $0x80, s20;
	v8 =	vadd.f32 v11, v8;
	v7 =	vadd.f32 v12, v7;
	v11 =	vld [tilespmem:s19+$0x5B80]  }
0x3b: {  	s24 =	sand.u32 $0x3C00, s20;
	s23 =	sand.u32 $0x70, s21;
	v6 =	vadd.f32 v19, v6;
	v5 =	vadd.f32 v22, v5;
	v12 =	vld [tilespmem:s19+$0x8700]  }
0x3c: {  	v8 =	vadd.f32 v28, v8;
	v7 =	vadd.f32 v32, v7;
	v19 =	vld [tilespmem:s19+$0x8780];
	s19 =	sor.u32 s23, s24  }
0x3d: {  	v6 =	vadd.f32 v23, v6;
	v21 =	vld [tilespmem:s19+$0x8400];
	v5 =	vadd.f32 v20, v5  }
0x3e: {  	v8 =	vadd.f32 v17, v8;
	v7 =	vadd.f32 v18, v7;
	v24 =	vld [tilespmem:s19+$0x8480]  }
0x3f: {  	v6 =	vadd.f32 v26, v6;
	v25 =	vld [tilespmem:s19+$0x8500];
	v5 =	vadd.f32 v11, v5  }
0x40: {  	v8 =	vadd.f32 v15, v8;
	v7 =	vadd.f32 v16, v7;
	v27 =	vld [tilespmem:s19+$0x8580]  }
0x41: {  	v6 =	vadd.f32 v12, v6;
	v15 =	vld [tilespmem:s19+$0x8600];
	v5 =	vadd.f32 v19, v5  }
0x42: {  	v16 =	vld [tilespmem:s19+$0x8680]  }
0x43: {  	v29 =	vld [tilespmem:s19+$0x5800]  }
0x44: {  	v31 =	vld [tilespmem:s19+$0x5880]  }
0x45: {  	v20 =	vld [tilespmem:s19+$0x5900]  }
0x46: {  	v30 =	vld [tilespmem:s19+$0x5980]  }
0x47: {  	v17 =	vld [tilespmem:s19+$0x5A00]  }
0x48: {  	v18 =	vld [tilespmem:s19+$0x5A80]  }
0x49: {  	v33 =	vld [tilespmem:s19+$0x2C00]  }
0x4a: {  	v35 =	vld [tilespmem:s19+$0x2C80]  }
0x4b: {  	v11 =	vld [tilespmem:s19+$0x0]  }
0x4c: {  	v12 =	vld [tilespmem:s19+$0x80]  }
0x4d: {  	v34 =	vld [tilespmem:s19+$0x100]  }
.Ltmp0:
0x4e: {  	v38 =	vld [tilespmem:s19+$0x180];
	(pc) =	sbr.rel @p0 .LBB2_3-.Ltmp0, $4  }
0x4f: {  	v36 =	vld [tilespmem:s19+$0x2D00]  }
0x50: {  	v37 =	vld [tilespmem:s19+$0x2D80]  }
0x51: {  	s22 =	sadd.s32 $0x1, s22;
	v28 =	vld [tilespmem:s19+$0x2E00]  }
0x52: {  	s21 =	sadd.s32 $0x10, s21;
	s23 =	sand.u32 $0x7, s22;
	v39 =	vadd.f32 v11, v13;
	v40 =	vadd.f32 v12, v14;
	v32 =	vld [tilespmem:s19+$0x2E80]  }
0x53: {  	vm0 =	vge.s32 v4, s18  }
0x54: {  	vm1 =	vlt.s32 v4, s17;
	v11 =	vmov s18;
	vm2 =	vlt.s32 v3, s17  }
0x55: {  	v41 =	vld [tilespmem:s19+$0x200];
	vm0 =	vmand vm0, vm1;
	v12 =	vsub.s32 v4, v11;
	vm1 =	vge.s32 v3, s18  }
0x56: {  	v42 =	vld [tilespmem:s19+$0x280];
	v11 =	vsub.s32 v3, v11;
	v12 =	vnsel vm0, $0x0, v12;
	vm1 =	vmand vm1, vm2  }
0x57: {  	v43 =	vld [tilespmem:s19+$0x300];
	v13 =	vshll.u32 v12, $0x3;
	v11 =	vnsel vm1, $0x0, v11  }
0x58: {  	v45 =	vld [tilespmem:s19+$0x2F00];
	v12 =	vand.u32 $0x7F, v12;
	v13 =	vand.u32 $0xFFFFFC00, v13;
	v14 =	vshll.u32 v11, $0x3  }
0x59: {  	v46 =	vld [tilespmem:s19+$0x2F80];
	v11 =	vand.u32 $0x7F, v11;
	v12 =	vor.u32 v12, v13;
	v13 =	vand.u32 $0xFFFFFC00, v14  }
0x5a: {  	v47 =	vld [tilespmem:s19+$0x5B00];
	v12 =	vadd.s32 v0, v12;
	v11 =	vor.u32 v11, v13  }
0x5b: {  	s21 =	sshll.u32 s23, $0x4;
	v48 =	vld [tilespmem:s19+$0x5B80];
	v11 =	vadd.s32 v1, v11  }
0x5c: {  	v49 =	vld [tilespmem:s19+$0x8700];
	s20 =	sadd.s32 s21, s20  }
0x5d: {  	v50 =	vld [tilespmem:s19+$0x8780];
	s20 =	sor.u32 $0x380, s20  }
0x5e: {  	s19 =	simm.s32 $0x0;
	v44 =	vld [tilespmem:s20+$0x0];
	s20 =	sadd.s32 $0xB00, s18  }
0x5f: {  	s18 =	sadd.s32 s20, s4;
	v12 =	vld.idx.msk [tilespmem:v12+s19+$0x0], vm0  }
0x60: {  	v11 =	vld.idx.msk [tilespmem:v11+s19+$0x0], vm1;
	[tilespmem:s19], [sflag:$0x1] =	stream.strided.gather [hbm4b:s18+s9], $0xB000, s10, s9, $0x38;
	[tilespmem:$0x16100] =	vst v63  }
0x61: {  	_ =	swait.ge [sflag:s13], $0xB000  }
0x62: {  	s30 =	sand.u32 $0x70, s19;
	s31 =	sand.u32 $0x3C00, s19;
	[sflag:s13] =	ssyncset.done $0x0  }
0x63: {  	s18 =	sor.u32 s30, s31;
	[sflag:s13] =	ssyncadd.s32 $0xFFFF5000  }
0x64: {  	v19 =	vld [tilespmem:s18+$0x13400]  }
0x65: {  	v23 =	vld [tilespmem:s18+$0x13480]  }
0x66: {  	v22 =	vld [tilespmem:s18+$0x13500]  }
0x67: {  	v26 =	vld [tilespmem:s18+$0x13580]  }
0x68: {  	v13 =	vld [tilespmem:s18+$0x13600]  }
0x69: {  	v14 =	vld [tilespmem:s18+$0x13680]  }
0x6a: {  	v10 =	vadd.f32 v34, v10;
	v9 =	vadd.f32 v38, v9;
	v34 =	vld [tilespmem:s18+$0x10800]  }
0x6b: {  	v56 =	vadd.f32 v33, v39;
	v35 =	vadd.f32 v35, v40;
	v33 =	vld [tilespmem:s18+$0x10880]  }
0x6c: {  	v36 =	vadd.f32 v36, v10;
	v9 =	vadd.f32 v37, v9;
	v10 =	vld [tilespmem:s18+$0x10900]  }
0x6d: {  	v57 =	vadd.f32 v29, v56;
	v31 =	vadd.f32 v31, v35;
	v29 =	vld [tilespmem:s18+$0x10980]  }
0x6e: {  	v58 =	vadd.f32 v20, v36;
	v9 =	vadd.f32 v30, v9;
	v20 =	vld [tilespmem:s18+$0x10A00]  }
0x6f: {  	v59 =	vadd.f32 v21, v57;
	v60 =	vadd.f32 v24, v31;
	v21 =	vld [tilespmem:s18+$0x10A80]  }
0x70: {  	v24 =	vadd.f32 v25, v58;
	v25 =	vadd.f32 v27, v9;
	v27 =	vld [tilespmem:s18+$0xDC00]  }
0x71: {  	v8 =	vadd.f32 v41, v8;
	v7 =	vadd.f32 v42, v7;
	v30 =	vld [tilespmem:s18+$0xDC80]  }
0x72: {  	v6 =	vadd.f32 v43, v6;
	v5 =	vadd.f32 v44, v5;
	v61 =	vld [tilespmem:s18+$0xB000]  }
0x73: {  	v8 =	vadd.f32 v28, v8;
	v7 =	vadd.f32 v32, v7;
	v62 =	vld [tilespmem:s18+$0xB080]  }
0x74: {  	v6 =	vadd.f32 v45, v6;
	v5 =	vadd.f32 v46, v5;
	v28 =	vld [tilespmem:s18+$0xB100]  }
0x75: {  	v8 =	vadd.f32 v17, v8;
	v9 =	vadd.f32 v18, v7;
	v31 =	vld [tilespmem:s18+$0xB180]  }
0x76: {  	v6 =	vadd.f32 v47, v6;
	v63 =	vadd.f32 v48, v5;
	v17 =	vld [tilespmem:s18+$0xDD00]  }
0x77: {  	v7 =	vadd.f32 v15, v8;
	v8 =	vadd.f32 v16, v9;
	v18 =	vld [tilespmem:s18+$0xDD80]  }
0x78: {  	v5 =	vadd.f32 v49, v6;
	v6 =	vadd.f32 v50, v63;
	v15 =	vld [tilespmem:s18+$0xDE00]  }
0x79: {  	s22 =	sand.u32 $0x7, s19;
	s21 =	simm.s32 $0x0;
	v9 =	vmov s17;
	s17 =	simm.s32 $0x10;
	v16 =	vld [tilespmem:s18+$0xDE80];
	v32 =	vadd.f32 v61, v59;
	v35 =	vadd.f32 v62, v60  }
.LBB2_5:
0x7a: {  	p0 =	sne.s32 s17, $0x570;
	s22 =	sshll.u32 s22, $0x4;
	v24 =	vadd.f32 v28, v24;
	v25 =	vadd.f32 v31, v25;
	v28 =	vld [tilespmem:s18+$0xB200]  }
0x7b: {  	s22 =	sadd.s32 s22, s19;
	v31 =	vld [tilespmem:s18+$0xB280];
	v27 =	vadd.f32 v27, v32;
	v30 =	vadd.f32 v30, v35  }
0x7c: {  	v32 =	vld [tilespmem:s18+$0xB300];
	s22 =	sor.u32 $0x380, s22;
	v17 =	vadd.f32 v17, v24;
	v18 =	vadd.f32 v18, v25  }
0x7d: {  	v35 =	vld [tilespmem:s22+$0xB000];
	v24 =	vadd.f32 v34, v27;
	v25 =	vadd.f32 v33, v30  }
0x7e: {  	v27 =	vld [tilespmem:s18+$0xDF00];
	v10 =	vadd.f32 v10, v17;
	v17 =	vadd.f32 v29, v18  }
0x7f: {  	v18 =	vld [tilespmem:s18+$0xDF80];
	v36 =	vadd.f32 v19, v24;
	v37 =	vadd.f32 v23, v25  }
0x80: {  	v29 =	vld [tilespmem:s18+$0x10B00];
	v24 =	vadd.f32 v22, v10;
	v25 =	vadd.f32 v26, v17  }
0x81: {  	s19 =	sadd.s32 $0x80, s19;
	v7 =	vadd.f32 v28, v7;
	v8 =	vadd.f32 v31, v8;
	v10 =	vld [tilespmem:s18+$0x10B80]  }
0x82: {  	s23 =	sand.u32 $0x3C00, s19;
	s22 =	sand.u32 $0x70, s17;
	v5 =	vadd.f32 v32, v5;
	v6 =	vadd.f32 v35, v6;
	v17 =	vld [tilespmem:s18+$0x13700]  }
0x83: {  	v7 =	vadd.f32 v15, v7;
	v8 =	vadd.f32 v16, v8;
	v15 =	vld [tilespmem:s18+$0x13780];
	s18 =	sor.u32 s22, s23  }
0x84: {  	v5 =	vadd.f32 v27, v5;
	v19 =	vld [tilespmem:s18+$0x13400];
	v6 =	vadd.f32 v18, v6  }
0x85: {  	v7 =	vadd.f32 v20, v7;
	v8 =	vadd.f32 v21, v8;
	v23 =	vld [tilespmem:s18+$0x13480]  }
0x86: {  	v5 =	vadd.f32 v29, v5;
	v22 =	vld [tilespmem:s18+$0x13500];
	v6 =	vadd.f32 v10, v6  }
0x87: {  	v7 =	vadd.f32 v13, v7;
	v8 =	vadd.f32 v14, v8;
	v26 =	vld [tilespmem:s18+$0x13580]  }
0x88: {  	v5 =	vadd.f32 v17, v5;
	v13 =	vld [tilespmem:s18+$0x13600];
	v6 =	vadd.f32 v15, v6  }
0x89: {  	v14 =	vld [tilespmem:s18+$0x13680]  }
0x8a: {  	v34 =	vld [tilespmem:s18+$0x10800]  }
0x8b: {  	v33 =	vld [tilespmem:s18+$0x10880]  }
0x8c: {  	v10 =	vld [tilespmem:s18+$0x10900]  }
0x8d: {  	v29 =	vld [tilespmem:s18+$0x10980]  }
0x8e: {  	v20 =	vld [tilespmem:s18+$0x10A00]  }
0x8f: {  	v21 =	vld [tilespmem:s18+$0x10A80]  }
0x90: {  	v27 =	vld [tilespmem:s18+$0xDC00]  }
0x91: {  	v30 =	vld [tilespmem:s18+$0xDC80]  }
0x92: {  	v16 =	vld [tilespmem:s18+$0xB000]  }
0x93: {  	v35 =	vld [tilespmem:s18+$0xB080]  }
0x94: {  	v28 =	vld [tilespmem:s18+$0xB100]  }
.Ltmp1:
0x95: {  	v31 =	vld [tilespmem:s18+$0xB180];
	(pc) =	sbr.rel @p0 .LBB2_5-.Ltmp1, $4  }
0x96: {  	v17 =	vld [tilespmem:s18+$0xDD00]  }
0x97: {  	v18 =	vld [tilespmem:s18+$0xDD80]  }
0x98: {  	s21 =	sadd.s32 $0x1, s21;
	v15 =	vld [tilespmem:s18+$0xDE00]  }
0x99: {  	s17 =	sadd.s32 $0x10, s17;
	s22 =	sand.u32 $0x7, s21;
	v32 =	vadd.f32 v16, v36;
	v35 =	vadd.f32 v35, v37;
	v16 =	vld [tilespmem:s18+$0xDE80]  }
0x9a: {  	vm2 =	vge.s32 v4, v9  }
0x9b: {  	vm3 =	vlt.s32 v4, s20;
	vm15 =	vge.s32 v3, v9;
	vm4 =	vlt.s32 v3, s20  }
0x9c: {  	v24 =	vadd.f32 v28, v24;
	v25 =	vadd.f32 v31, v25;
	v50 =	vsub.s32 v4, v9  }
0x9d: {  	v9 =	vsub.s32 v3, v9;
	v12 =	vnsel vm0, $0x0, v12;
	v11 =	vnsel vm1, $0x0, v11  }
0x9e: {  	vm3 =	vmand vm2, vm3;
	vm2 =	vmand vm15, vm4;
	v27 =	vadd.f32 v27, v32  }
0x9f: {  	v49 =	vadd.f32 v30, v35;
	v2 =	vadd.f32 v12, v2;
	v51 =	vnsel vm3, $0x0, v50  }
0xa0: {  	v52 =	vld [tilespmem:s18+$0xB200];
	v17 =	vadd.f32 v17, v24;
	v18 =	vadd.f32 v18, v25;
	v30 =	vshll.u32 v51, $0x3  }
0xa1: {  	s17 =	sshll.u32 s22, $0x4;
	v53 =	vld [tilespmem:s18+$0xB280];
	v9 =	vnsel vm2, $0x0, v9;
	v24 =	vand.u32 $0x7F, v51;
	v30 =	vand.u32 $0xFFFFFC00, v30  }
0xa2: {  	v54 =	vld [tilespmem:s18+$0xB300];
	s17 =	sadd.s32 s17, s19;
	v27 =	vadd.f32 v34, v27;
	v55 =	vshll.u32 v9, $0x3;
	v24 =	vor.u32 v24, v30  }
0xa3: {  	v57 =	vld [tilespmem:s18+$0xDF80];
	s17 =	sor.u32 $0x380, s17;
	v9 =	vand.u32 $0x7F, v9;
	v30 =	vand.u32 $0xFFFFFC00, v55;
	v24 =	vadd.s32 v0, v24  }
0xa4: {  	v28 =	vadd.f32 v33, v49;
	v56 =	vld [tilespmem:s17+$0xB000];
	v2 =	vadd.f32 v11, v2;
	v9 =	vor.u32 v9, v30  }
0xa5: {  	v59 =	vld [tilespmem:s18+$0x10B00];
	v10 =	vadd.f32 v10, v17;
	v18 =	vadd.f32 v29, v18;
	v58 =	vadd.s32 v1, v9  }
0xa6: {  	v17 =	vld [tilespmem:s18+$0xDF00];
	v32 =	vadd.f32 v19, v27;
	v19 =	vadd.f32 v23, v28  }
0xa7: {  	v7 =	vadd.f32 v52, v7;
	v9 =	vadd.f32 v26, v18;
	v18 =	vld [tilespmem:s18+$0x10B80]  }
0xa8: {  	v8 =	vadd.f32 v53, v8;
	v5 =	vadd.f32 v54, v5;
	v60 =	vld.idx.msk [tilespmem:v24+s12+$0x0], vm3  }
0xa9: {  	v61 =	vld [tilespmem:s18+$0x13700];
	v10 =	vadd.f32 v22, v10;
	v6 =	vadd.f32 v56, v6  }
0xaa: {  	s16 =	sadd.s32 $0x1, s16;
	v7 =	vadd.f32 v15, v7;
	v8 =	vadd.f32 v16, v8;
	v62 =	vld.idx.msk [tilespmem:v58+s12+$0x0], vm2  }
0xab: {  	v63 =	vld [tilespmem:s18+$0x13780];
	p0 =	sne.s32 s16, $0x23;
	v5 =	vadd.f32 v17, v5;
	v6 =	vadd.f32 v57, v6  }
.Ltmp2:
0xac: {  	v7 =	vadd.f32 v20, v7;
	v16 =	vadd.f32 v21, v8;
	(pc) =	sbr.rel @p0 .LBB2_2-.Ltmp2, $4  }
0xad: {  	v5 =	vadd.f32 v59, v5;
	v11 =	vadd.f32 v18, v6;
	v6 =	vnsel vm3, $0x0, v60  }
0xae: {  	v8 =	vadd.f32 v13, v7;
	v2 =	vadd.f32 v6, v2  }
0xaf: {  	v7 =	vadd.f32 v14, v16;
	v6 =	vadd.f32 v61, v5;
	v12 =	vnsel vm2, $0x0, v62  }
0xb0: {  	v5 =	vadd.f32 v63, v11;
	v2 =	vadd.f32 v12, v2  }
0xb1: {  	_ =	swait.ge [sflag:s11], $0xB000;
	s17 =	simm.s32 $0x0  }
0xb2: {  	[sflag:s11] =	ssyncset.done $0x0;
	s16 =	sand.u32 $0x70, s17;
	s18 =	sand.u32 $0x3C00, s17  }
0xb3: {  	[sflag:s11] =	ssyncadd.s32 $0xFFFF5000;
	s16 =	sor.u32 s16, s18  }
0xb4: {  	v15 =	vld [tilespmem:s16+$0x8400]  }
0xb5: {  	v17 =	vld [tilespmem:s16+$0x8480]  }
0xb6: {  	v16 =	vld [tilespmem:s16+$0x8500]  }
0xb7: {  	v18 =	vld [tilespmem:s16+$0x8580]  }
0xb8: {  	v12 =	vld [tilespmem:s16+$0x8600]  }
0xb9: {  	v11 =	vld [tilespmem:s16+$0x8680]  }
0xba: {  	v21 =	vld [tilespmem:s16+$0x5800]  }
0xbb: {  	v23 =	vld [tilespmem:s16+$0x5880]  }
0xbc: {  	v22 =	vld [tilespmem:s16+$0x5900]  }
0xbd: {  	v24 =	vld [tilespmem:s16+$0x5980]  }
0xbe: {  	v14 =	vld [tilespmem:s16+$0x5A00]  }
0xbf: {  	v13 =	vld [tilespmem:s16+$0x5A80]  }
0xc0: {  	v25 =	vld [tilespmem:s16+$0x2C00]  }
0xc1: {  	v26 =	vld [tilespmem:s16+$0x2C80]  }
0xc2: {  	v31 =	vld [tilespmem:s16+$0x0]  }
0xc3: {  	v33 =	vld [tilespmem:s16+$0x80]  }
0xc4: {  	v29 =	vld [tilespmem:s16+$0x100]  }
0xc5: {  	v30 =	vld [tilespmem:s16+$0x180]  }
0xc6: {  	v27 =	vld [tilespmem:s16+$0x2D00]  }
0xc7: {  	v28 =	vld [tilespmem:s16+$0x2D80]  }
0xc8: {  	v20 =	vld [tilespmem:s16+$0x2E00]  }
0xc9: {  	s19 =	simm.s32 $0x0;
	s20 =	sand.u32 $0x7, s17;
	s18 =	simm.s32 $0x10;
	v31 =	vadd.f32 v31, v32;
	v32 =	vadd.f32 v33, v19;
	v19 =	vld [tilespmem:s16+$0x2E80]  }
.LBB2_8:
0xca: {  	p0 =	sne.s32 s18, $0x570;
	s20 =	sshll.u32 s20, $0x4;
	v10 =	vadd.f32 v29, v10;
	v9 =	vadd.f32 v30, v9;
	v29 =	vld [tilespmem:s16+$0x200]  }
0xcb: {  	s20 =	sadd.s32 s20, s17;
	v30 =	vld [tilespmem:s16+$0x280];
	v25 =	vadd.f32 v25, v31;
	v26 =	vadd.f32 v26, v32  }
0xcc: {  	v31 =	vld [tilespmem:s16+$0x300];
	s20 =	sor.u32 $0x380, s20;
	v10 =	vadd.f32 v27, v10;
	v9 =	vadd.f32 v28, v9  }
0xcd: {  	v27 =	vld [tilespmem:s20+$0x0];
	v21 =	vadd.f32 v21, v25;
	v23 =	vadd.f32 v23, v26  }
0xce: {  	v25 =	vld [tilespmem:s16+$0x2F00];
	v10 =	vadd.f32 v22, v10;
	v9 =	vadd.f32 v24, v9  }
0xcf: {  	v22 =	vld [tilespmem:s16+$0x2F80];
	v32 =	vadd.f32 v15, v21;
	v33 =	vadd.f32 v17, v23  }
0xd0: {  	v21 =	vld [tilespmem:s16+$0x5B00];
	v10 =	vadd.f32 v16, v10;
	v9 =	vadd.f32 v18, v9  }
0xd1: {  	s17 =	sadd.s32 $0x80, s17;
	v8 =	vadd.f32 v29, v8;
	v7 =	vadd.f32 v30, v7;
	v18 =	vld [tilespmem:s16+$0x5B80]  }
0xd2: {  	s21 =	sand.u32 $0x3C00, s17;
	s20 =	sand.u32 $0x70, s18;
	v6 =	vadd.f32 v31, v6;
	v5 =	vadd.f32 v27, v5;
	v23 =	vld [tilespmem:s16+$0x8700]  }
0xd3: {  	v8 =	vadd.f32 v20, v8;
	v7 =	vadd.f32 v19, v7;
	v19 =	vld [tilespmem:s16+$0x8780];
	s16 =	sor.u32 s20, s21  }
0xd4: {  	v6 =	vadd.f32 v25, v6;
	v15 =	vld [tilespmem:s16+$0x8400];
	v5 =	vadd.f32 v22, v5  }
0xd5: {  	v8 =	vadd.f32 v14, v8;
	v7 =	vadd.f32 v13, v7;
	v17 =	vld [tilespmem:s16+$0x8480]  }
0xd6: {  	v6 =	vadd.f32 v21, v6;
	v16 =	vld [tilespmem:s16+$0x8500];
	v5 =	vadd.f32 v18, v5  }
0xd7: {  	v8 =	vadd.f32 v12, v8;
	v7 =	vadd.f32 v11, v7;
	v18 =	vld [tilespmem:s16+$0x8580]  }
0xd8: {  	v6 =	vadd.f32 v23, v6;
	v12 =	vld [tilespmem:s16+$0x8600];
	v5 =	vadd.f32 v19, v5  }
0xd9: {  	v11 =	vld [tilespmem:s16+$0x8680]  }
0xda: {  	v21 =	vld [tilespmem:s16+$0x5800]  }
0xdb: {  	v23 =	vld [tilespmem:s16+$0x5880]  }
0xdc: {  	v22 =	vld [tilespmem:s16+$0x5900]  }
0xdd: {  	v24 =	vld [tilespmem:s16+$0x5980]  }
0xde: {  	v14 =	vld [tilespmem:s16+$0x5A00]  }
0xdf: {  	v13 =	vld [tilespmem:s16+$0x5A80]  }
0xe0: {  	v25 =	vld [tilespmem:s16+$0x2C00]  }
0xe1: {  	v26 =	vld [tilespmem:s16+$0x2C80]  }
0xe2: {  	v19 =	vld [tilespmem:s16+$0x0]  }
0xe3: {  	v34 =	vld [tilespmem:s16+$0x80]  }
0xe4: {  	v29 =	vld [tilespmem:s16+$0x100]  }
.Ltmp3:
0xe5: {  	v30 =	vld [tilespmem:s16+$0x180];
	(pc) =	sbr.rel @p0 .LBB2_8-.Ltmp3, $4  }
0xe6: {  	v27 =	vld [tilespmem:s16+$0x2D00]  }
0xe7: {  	v28 =	vld [tilespmem:s16+$0x2D80]  }
0xe8: {  	s19 =	sadd.s32 $0x1, s19;
	v20 =	vld [tilespmem:s16+$0x2E00]  }
0xe9: {  	s18 =	sadd.s32 $0x10, s18;
	s20 =	sand.u32 $0x7, s19;
	v31 =	vadd.f32 v19, v32;
	v32 =	vadd.f32 v34, v33;
	v19 =	vld [tilespmem:s16+$0x2E80]  }
0xea: {  	v10 =	vadd.f32 v29, v10  }
0xeb: {  	v9 =	vadd.f32 v30, v9;
	v4 =	vadd.s32 $0xFFFE7F00, v4;
	v3 =	vadd.s32 $0xFFFE7F00, v3  }
0xec: {  	v51 =	vld [tilespmem:s16+$0x200];
	v25 =	vadd.f32 v25, v31;
	v26 =	vadd.f32 v26, v32;
	vm0 =	vlt.u32 v4, $0x580  }
0xed: {  	v52 =	vld [tilespmem:s16+$0x280];
	vm1 =	vlt.u32 v3, $0x580;
	v10 =	vadd.f32 v27, v10;
	v9 =	vadd.f32 v28, v9  }
0xee: {  	v53 =	vld [tilespmem:s16+$0x300];
	v4 =	vnsel vm0, $0x0, v4;
	v3 =	vnsel vm1, $0x0, v3;
	v21 =	vadd.f32 v21, v25  }
0xef: {  	v23 =	vadd.f32 v23, v26;
	v55 =	vshll.u32 v4, $0x3;
	v4 =	vand.u32 $0x7F, v4  }
0xf0: {  	s18 =	sshll.u32 s20, $0x4;
	v57 =	vshll.u32 v3, $0x3;
	v10 =	vadd.f32 v22, v10;
	v9 =	vadd.f32 v24, v9  }
0xf1: {  	v56 =	vld [tilespmem:s16+$0x2F00];
	s17 =	sadd.s32 s18, s17;
	v3 =	vand.u32 $0x7F, v3;
	v15 =	vadd.f32 v15, v21;
	v17 =	vadd.f32 v17, v23  }
0xf2: {  	s17 =	sor.u32 $0x380, s17;
	v8 =	vadd.f32 v51, v8;
	v9 =	vadd.f32 v18, v9;
	v18 =	vand.u32 $0xFFFFFC00, v55  }
0xf3: {  	v54 =	vld [tilespmem:s17+$0x0];
	v7 =	vadd.f32 v52, v7;
	v6 =	vadd.f32 v53, v6;
	v4 =	vor.u32 v4, v18  }
0xf4: {  	v58 =	vld [tilespmem:s16+$0x2F80];
	v10 =	vadd.f32 v16, v10;
	v18 =	vand.u32 $0xFFFFFC00, v57;
	v4 =	vadd.s32 v0, v4  }
0xf5: {  	v59 =	vld [tilespmem:s16+$0x5B00];
	v8 =	vadd.f32 v20, v8;
	v15 =	vadd.f32 v17, v15;
	v3 =	vor.u32 v3, v18  }
0xf6: {  	v60 =	vld [tilespmem:s16+$0x5B80];
	v7 =	vadd.f32 v19, v7;
	v6 =	vadd.f32 v56, v6;
	v3 =	vadd.s32 v1, v3  }
0xf7: {  	v61 =	vld [tilespmem:s16+$0x8700];
	v8 =	vadd.f32 v14, v8;
	v10 =	vadd.f32 v10, v15  }
0xf8: {  	v62 =	vld [tilespmem:s16+$0x8780];
	v5 =	vadd.f32 v54, v5;
	v7 =	vadd.f32 v13, v7  }
0xf9: {  	v8 =	vadd.f32 v12, v8;
	v9 =	vadd.f32 v9, v10;
	v4 =	vld.idx.msk [tilespmem:v4+s2+$0x0], vm0  }
0xfa: {  	v6 =	vadd.f32 v59, v6;
	v5 =	vadd.f32 v58, v5  }
0xfb: {  	v7 =	vadd.f32 v11, v7;
	v8 =	vadd.f32 v8, v9;
	v3 =	vld.idx.msk [tilespmem:v3+s2+$0x0], vm1  }
0xfc: {  	v5 =	vadd.f32 v60, v5  }
0xfd: {  	v6 =	vadd.f32 v61, v6;
	v7 =	vadd.f32 v7, v8  }
0xfe: {  	v5 =	vadd.f32 v62, v5;
	v4 =	vnsel vm0, $0x0, v4  }
0xff: {  	v63 =	vadd.f32 v6, v7;
	v2 =	vadd.f32 v4, v2  }
0x100: {  	v3 =	vnsel vm1, $0x0, v3  }
0x101: {  	v2 =	vadd.f32 v3, v2;
	v3 =	vadd.f32 v5, v63;
	_ =	sdelay $0x1  }
0x102: {  	v3 =	vmul.f32 $1.000010000e-06, v3;
	v2 =	vmul.f32 $8.999990220e-01, v2;
	_ =	sdelay $0x1  }
0x103: {  	s15 =	sadd.s32 $0x1, s15;
	v2 =	vadd.f32 v2, v3  }
0x104: {  	p0 =	sne.s32 s15, s6  }
.Ltmp4:
0x105: {  	[tilespmem:$0x16080] =	vst v2;
	(pc) =	sbr.rel @p0 .LBB2_1-.Ltmp4, $4  }
0x106: {  	[hbm4b:s5+s2] =	stream.linear.scatter [tilespmem:s14], [sflag:$0x3], $0x80, $0x38;
	[tilespmem:$0x16100] =	vst v63  }
0x107: {  	_ =	swait.ge [sflag:s8], $0x80  }
0x108: {  	[sflag:s8] =	ssyncset.done $0x0  }
0x109: {  	[sflag:s8] =	ssyncadd.s32 $0xFFFFFF80  }
0x10a: {  	_ =	sfence.sel $0x180000  }
0x10b: {  	[bflag:$0x0] =	sbarrier.arrive $0xFFFF  }
0x10c: {  	p0 =	sne.s32 s0, $0x0;
	_ =	strace $0x90000047  }
0x10d: {  	s0 =	sadd.s32 @!p0 $0x100000, s1;
	[bflag:$0x2] =	sbarrier.arrive $0xFFFF  }
0x10e: {  	[sflag:s0] =	ssyncadd.tile.s32 @!p0 $0x1;
	_ =	shalt  }
.Lfunc_end2:
_tile_overlayer_lowered:
.L_overlay_start_2:
0x10f: {  	(tag) =	ssettag $0x2  }
0x110: {  	s0 =	rddreg [dreg:$0x0];
	s2 =	stileid.u32  }
0x111: {  	s1 =	rddreg [dreg:$0x1];
	p0 =	sne.s32 s2, $0x0  }
0x112: {  	s3 =	rddreg [dreg:$0x2];
	[bflag:$0x3] =	sbarrier.arrive $0xFFFF;
	s2 =	simm.s32 @!p0 $0x1C03  }
0x113: {  	[timem:s3], [sflag:s2] =	dma.local @!p0 [hbm:s0], s1  }
0x114: {  	s0 =	simm.s32 @!p0 $0x3  }
0x115: {  	_ =	swait.ge @!p0 [sflag:s0], s1  }
0x116: {  	s1 =	ssub.s32 @!p0 $0x0, s1;
	[sflag:s0] =	ssyncset.done @!p0 $0x0  }
0x117: {  	[sflag:s0] =	ssyncadd.s32 @!p0 s1  }
0x118: {  	[bflag:$0x3] =	sbarrier.arrive $0xFFFF  }
0x119: {  	_ =	shalt  }

</sc_bundles>
